<compile_context>
chip_gen: v7x
topology: tpu7x:2x2x1
jax: 0.10.2.dev20260603
libtpu: 0.0.44.dev20260713+nightly
codegen_flags: <defaults>
</compile_context>

<pallas_src>
import functools

import jax
import jax.numpy as jnp
from jax import lax
from jax.experimental import pallas as pl
from jax.experimental.pallas import tpu as pltpu
from jax.experimental.pallas import tpu_sc as plsc

N_ROWS_K = 16384
CH = 2048
NC = 2
NS = 16
NW = NC * NS
SC_ROWS = 11264
TC_ROWS = N_ROWS_K - SC_ROWS
TC_BLK = 512
ROWS_PER_W = SC_ROWS // NW
CHUNK = 8
N_CHUNKS = ROWS_PER_W // CHUNK
LANES = 16
J_GROUPS = CH // LANES


def _body(x_hbm, p_hbm, out_hbm, p_v, inb0, inb1, inb2, inb3, outb0, outb1,
          si0, si1, si2, si3, so0, so1):
    c = lax.axis_index("c")
    s = lax.axis_index("s")
    wid = s * NC + c
    row0 = wid * ROWS_PER_W

    inbs = (inb0, inb1, inb2, inb3)
    outbs = (outb0, outb1)
    sis = (si0, si1, si2, si3)
    sos = (so0, so1)

    def in_slice(q):
        return x_hbm.at[pl.ds(row0 + q * CHUNK, CHUNK), :]

    def out_slice(q):
        return out_hbm.at[pl.ds(row0 + q * CHUNK, CHUNK), :]

    pltpu.sync_copy(p_hbm, p_v)

    pltpu.async_copy(in_slice(0), inbs[0], sis[0])
    pltpu.async_copy(in_slice(1), inbs[1], sis[1])

    def do_chunk(q, bi, b):
        @pl.when(q + 2 < N_CHUNKS)
        def _():
            pltpu.async_copy(in_slice(q + 2), inbs[(bi + 2) % 4], sis[(bi + 2) % 4])

        pltpu.make_async_copy(in_slice(q), inbs[bi], sis[bi]).wait()

        @pl.when(q >= 2)
        def _():
            pltpu.make_async_copy(outbs[b], out_slice(q - 2), sos[b]).wait()

        @plsc.parallel_loop(0, J_GROUPS, unroll=4)
        def j_body(j):
            off = pl.multiple_of(j * LANES, LANES)
            idx = p_v[pl.ds(off, LANES)]
            vals = []
            for r in range(CHUNK):
                row_idx = jnp.full((LANES,), r, dtype=jnp.int32)
                vals.append(plsc.load_gather(inbs[bi], [row_idx, idx]))
            for r in range(CHUNK):
                outbs[b][r, pl.ds(off, LANES)] = vals[r]

        pltpu.async_copy(outbs[b], out_slice(q), sos[b])

    @pl.loop(0, N_CHUNKS, step=4)
    def _(k):
        do_chunk(k, 0, 0)
        do_chunk(k + 1, 1, 1)
        do_chunk(k + 2, 2, 0)
        do_chunk(k + 3, 3, 1)

    pltpu.make_async_copy(outbs[0], out_slice(N_CHUNKS - 2), sos[0]).wait()
    pltpu.make_async_copy(outbs[1], out_slice(N_CHUNKS - 1), sos[1]).wait()


@functools.partial(
    pl.kernel,
    out_type=jax.ShapeDtypeStruct((N_ROWS_K, CH), jnp.float32),
    mesh=plsc.VectorSubcoreMesh(
        core_axis_name="c", subcore_axis_name="s", num_cores=NC, num_subcores=NS
    ),
    scratch_types=[
        pltpu.VMEM((CH,), jnp.int32),
        pltpu.VMEM((CHUNK, CH), jnp.float32),
        pltpu.VMEM((CHUNK, CH), jnp.float32),
        pltpu.VMEM((CHUNK, CH), jnp.float32),
        pltpu.VMEM((CHUNK, CH), jnp.float32),
        pltpu.VMEM((CHUNK, CH), jnp.float32),
        pltpu.VMEM((CHUNK, CH), jnp.float32),
        pltpu.SemaphoreType.DMA,
        pltpu.SemaphoreType.DMA,
        pltpu.SemaphoreType.DMA,
        pltpu.SemaphoreType.DMA,
        pltpu.SemaphoreType.DMA,
        pltpu.SemaphoreType.DMA,
    ],
    compiler_params=pltpu.CompilerParams(
        needs_layout_passes=False, use_tc_tiling_on_sc=True
    ),
)
def _permute_sc(x_hbm, p_hbm, out_hbm, p_v, inb0, inb1, inb2, inb3,
                outb0, outb1, si0, si1, si2, si3, so0, so1):
    _body(x_hbm, p_hbm, out_hbm, p_v, inb0, inb1, inb2, inb3, outb0, outb1,
          si0, si1, si2, si3, so0, so1)


def _tc_body(p_ref, x_ref, out_ref, perm_scr):
    @pl.when(pl.program_id(0) == 0)
    def _():
        iota_k = lax.broadcasted_iota(jnp.int32, (CH, CH), 0)
        perm_scr[...] = (iota_k == p_ref[...][None, :]).astype(jnp.bfloat16)

    x = x_ref[...]
    hi = x.astype(jnp.bfloat16)
    lo = (x - hi.astype(jnp.float32)).astype(jnp.bfloat16)
    perm = perm_scr[...]
    acc = jax.lax.dot(hi, perm, preferred_element_type=jnp.float32)
    acc = acc + jax.lax.dot(lo, perm, preferred_element_type=jnp.float32)
    out_ref[...] = acc


def _permute_tc(x, p32):
    return pl.pallas_call(
        _tc_body,
        grid=(TC_ROWS // TC_BLK,),
        in_specs=[
            pl.BlockSpec((CH,), lambda i: (0,)),
            pl.BlockSpec((TC_BLK, CH), lambda i: (SC_ROWS // TC_BLK + i, 0)),
        ],
        out_specs=pl.BlockSpec((TC_BLK, CH), lambda i: (i, 0)),
        out_shape=jax.ShapeDtypeStruct((TC_ROWS, CH), jnp.float32),
        scratch_shapes=[pltpu.VMEM((CH, CH), jnp.bfloat16)],
    )(p32, x)


def kernel(x, p):
    p32 = p.astype(jnp.int32)
    sc_out = _permute_sc(x, p32)
    tc_part = _permute_tc(x, p32)
    out = jax.lax.dynamic_update_slice(sc_out, tc_part, (SC_ROWS, 0))
    return (out, 0)

# --- scband reference (transcript-rebuilt; emitter-appended) ---
"""Pipeline reference for scband-permutation-33354716020777 (READ-ONLY COPY).

The authoritative reference and input builder live on the scoring server;
editing this copy changes nothing except your own understanding.
"""

import jax, jax.numpy as jnp
import numpy as np

IN_CH = 2048
N_ROWS = 16384

def setup_inputs(seed: int = 0) -> dict:
    key = jax.random.key(seed)
    k1, k2 = jax.random.split(key)
    x = jax.random.normal(k1, (N_ROWS, IN_CH), dtype=jnp.float32)
    # buffer: random permutation of channels (torch.randperm equivalent)
    p = jax.random.permutation(k2, IN_CH)
    return {"x": x, "p": p}

def reference(x, p):
    # forward: out = x[:, self.p]; returns (out, 0)
    out = jnp.take(x, p, axis=1)
    return (out, 0)

if __name__ == "__main__":
    import jax
    _d = setup_inputs()
    print(jax.jit(kernel)(*tuple(_d.values())))

</pallas_src>

<mosaic_0001>
#map = affine_map<(d0, d1) -> (0, 0)>
#map1 = affine_map<(d0, d1) -> (0)>
module attributes {stable_mosaic.version = 14 : i64} {
  func.func @_permute_sc(%arg0: i32, %arg1: i32, %arg2: memref<16384x2048xf32, #tpu.memory_space<hbm>>, %arg3: memref<2048xi32, #tpu.memory_space<hbm>>, %arg4: memref<16384x2048xf32, #tpu.memory_space<hbm>>, %arg5: memref<2048xi32, #tpu.memory_space<vmem>>, %arg6: memref<8x2048xf32, #tpu.memory_space<vmem>>, %arg7: memref<8x2048xf32, #tpu.memory_space<vmem>>, %arg8: memref<8x2048xf32, #tpu.memory_space<vmem>>, %arg9: memref<8x2048xf32, #tpu.memory_space<vmem>>, %arg10: memref<8x2048xf32, #tpu.memory_space<vmem>>, %arg11: memref<8x2048xf32, #tpu.memory_space<vmem>>, %arg12: memref<!tpu.dma_semaphore, #tpu.memory_space<semaphore_mem>>, %arg13: memref<!tpu.dma_semaphore, #tpu.memory_space<semaphore_mem>>, %arg14: memref<!tpu.dma_semaphore, #tpu.memory_space<semaphore_mem>>, %arg15: memref<!tpu.dma_semaphore, #tpu.memory_space<semaphore_mem>>, %arg16: memref<!tpu.dma_semaphore, #tpu.memory_space<semaphore_mem>>, %arg17: memref<!tpu.dma_semaphore, #tpu.memory_space<semaphore_mem>>) attributes {dimension_semantics = [#tpu.dimension_semantics<core_parallel>, #tpu.dimension_semantics<subcore_parallel>], iteration_bounds = array<i64: 2, 16>, scalar_prefetch = 0 : i64, scratch_operands = 13 : i64, tpu.core_type = #tpu.core_type<sc_vector_subcore>, window_params = [{transform_indices = #map}, {transform_indices = #map1}, {transform_indices = #map}]} {
    %mul3A = arith.constant 2 : i32
    %mul3A_0 = arith.muli %arg1, %mul3A : i32
    %add3A = arith.addi %mul3A_0, %arg0 : i32
    %mul3A_1 = arith.constant 352 : i32
    %mul3A_2 = arith.muli %add3A, %mul3A_1 : i32
    "tpu.region"() ({
      %run_scoped3A = tpu.sem_alloc : memref<!tpu.dma_semaphore, #tpu.memory_space<semaphore_mem>>
      tpu.enqueue_dma source(%arg3 : memref<2048xi32, #tpu.memory_space<hbm>>) target(%arg5 : memref<2048xi32, #tpu.memory_space<vmem>>) target_semaphore(%run_scoped3A : memref<!tpu.dma_semaphore, #tpu.memory_space<semaphore_mem>>)
      tpu.wait_dma2 semaphore(%run_scoped3A : memref<!tpu.dma_semaphore, #tpu.memory_space<semaphore_mem>>) src(%arg3 : memref<2048xi32, #tpu.memory_space<hbm>>) dst(%arg5 : memref<2048xi32, #tpu.memory_space<vmem>>)
      tpu.yield
    }) : () -> ()
    %add3A_3 = arith.constant 0 : i32
    %add3A_4 = arith.addi %mul3A_2, %add3A_3 : i32
    %dma_start3A = arith.constant 0 : i32
    %dma_start3A_5 = tpu.memref_slice %arg2[%add3A_4, %dma_start3A] : memref<16384x2048xf32, #tpu.memory_space<hbm>> -> memref<8x2048xf32, #tpu.memory_space<hbm>>
    %dma_start3A_6 = arith.constant 0 : i32
    %dma_start3A_7 = tpu.memref_slice %arg2[%add3A_4, %dma_start3A_6] : memref<16384x2048xf32, #tpu.memory_space<hbm>> -> memref<8x2048xf32, #tpu.memory_space<hbm>>
    tpu.enqueue_dma source(%dma_start3A_7 : memref<8x2048xf32, #tpu.memory_space<hbm>>) target(%arg6 : memref<8x2048xf32, #tpu.memory_space<vmem>>) target_semaphore(%arg12 : memref<!tpu.dma_semaphore, #tpu.memory_space<semaphore_mem>>)
    %add3A_8 = arith.constant 8 : i32
    %add3A_9 = arith.addi %mul3A_2, %add3A_8 : i32
    %dma_start3A_10 = arith.constant 0 : i32
    %dma_start3A_11 = tpu.memref_slice %arg2[%add3A_9, %dma_start3A_10] : memref<16384x2048xf32, #tpu.memory_space<hbm>> -> memref<8x2048xf32, #tpu.memory_space<hbm>>
    %dma_start3A_12 = arith.constant 0 : i32
    %dma_start3A_13 = tpu.memref_slice %arg2[%add3A_9, %dma_start3A_12] : memref<16384x2048xf32, #tpu.memory_space<hbm>> -> memref<8x2048xf32, #tpu.memory_space<hbm>>
    tpu.enqueue_dma source(%dma_start3A_13 : memref<8x2048xf32, #tpu.memory_space<hbm>>) target(%arg7 : memref<8x2048xf32, #tpu.memory_space<vmem>>) target_semaphore(%arg13 : memref<!tpu.dma_semaphore, #tpu.memory_space<semaphore_mem>>)
    %scan3A = arith.constant 0 : i32
    %scan3A_14 = arith.constant 11 : i32
    %scan3A_15 = arith.addi %scan3A, %scan3A_14 : i32
    %scan3A_16 = arith.constant 1 : i32
    scf.for %scan3A_29 = %scan3A to %scan3A_15 step %scan3A_16  : i32 {
      %mul3A_30 = arith.constant 4 : i32
      %mul3A_31 = arith.muli %scan3A_29, %mul3A_30 : i32
      %add3A_32 = arith.constant 0 : i32
      %add3A_33 = arith.addi %add3A_32, %mul3A_31 : i32
      %add3A_34 = arith.constant 2 : i32
      %add3A_35 = arith.addi %add3A_33, %add3A_34 : i32
      %lt3A = arith.constant 44 : i32
      %lt3A_36 = arith.cmpi slt, %add3A_35, %lt3A : i32
      %convert_element_type3A = arith.extui %lt3A_36 : i1 to i32
      %cond3A = arith.constant 0 : i32
      %cond3A_37 = arith.cmpi ne, %convert_element_type3A, %cond3A : i32
      scf.if %cond3A_37 {
        %add3A_151 = arith.constant 2 : i32
        %add3A_152 = arith.addi %add3A_33, %add3A_151 : i32
        %mul3A_153 = arith.constant 8 : i32
        %mul3A_154 = arith.muli %add3A_152, %mul3A_153 : i32
        %add3A_155 = arith.addi %mul3A_2, %mul3A_154 : i32
        %dma_start3A_156 = arith.constant 0 : i32
        %dma_start3A_157 = tpu.memref_slice %arg2[%add3A_155, %dma_start3A_156] : memref<16384x2048xf32, #tpu.memory_space<hbm>> -> memref<8x2048xf32, #tpu.memory_space<hbm>>
        %dma_start3A_158 = arith.constant 0 : i32
        %dma_start3A_159 = tpu.memref_slice %arg2[%add3A_155, %dma_start3A_158] : memref<16384x2048xf32, #tpu.memory_space<hbm>> -> memref<8x2048xf32, #tpu.memory_space<hbm>>
        tpu.enqueue_dma source(%dma_start3A_159 : memref<8x2048xf32, #tpu.memory_space<hbm>>) target(%arg8 : memref<8x2048xf32, #tpu.memory_space<vmem>>) target_semaphore(%arg14 : memref<!tpu.dma_semaphore, #tpu.memory_space<semaphore_mem>>)
      } else {
      }
      %mul3A_38 = arith.constant 8 : i32
      %mul3A_39 = arith.muli %add3A_33, %mul3A_38 : i32
      %add3A_40 = arith.addi %mul3A_2, %mul3A_39 : i32
      %dma_wait3A_41 = arith.constant 0 : i32
      %dma_wait3A_42 = tpu.memref_slice %arg2[%add3A_40, %dma_wait3A_41] : memref<16384x2048xf32, #tpu.memory_space<hbm>> -> memref<8x2048xf32, #tpu.memory_space<hbm>>
      %dma_wait3A_43 = arith.constant 0 : i32
      %dma_wait3A_44 = tpu.memref_slice %arg2[%add3A_40, %dma_wait3A_43] : memref<16384x2048xf32, #tpu.memory_space<hbm>> -> memref<8x2048xf32, #tpu.memory_space<hbm>>
      tpu.wait_dma2 semaphore(%arg12 : memref<!tpu.dma_semaphore, #tpu.memory_space<semaphore_mem>>) src(%dma_wait3A_44 : memref<8x2048xf32, #tpu.memory_space<hbm>>) dst(%arg6 : memref<8x2048xf32, #tpu.memory_space<vmem>>)
      %ge3A = arith.constant 2 : i32
      %ge3A_45 = arith.cmpi sge, %add3A_33, %ge3A : i32
      %convert_element_type3A_46 = arith.extui %ge3A_45 : i1 to i32
      %cond3A_47 = arith.constant 0 : i32
      %cond3A_48 = arith.cmpi ne, %convert_element_type3A_46, %cond3A_47 : i32
      scf.if %cond3A_48 {
        %sub3A = arith.constant 2 : i32
        %sub3A_151 = arith.subi %add3A_33, %sub3A : i32
        %mul3A_152 = arith.constant 8 : i32
        %mul3A_153 = arith.muli %sub3A_151, %mul3A_152 : i32
        %add3A_154 = arith.addi %mul3A_2, %mul3A_153 : i32
        %dma_wait3A_155 = arith.constant 0 : i32
        %dma_wait3A_156 = tpu.memref_slice %arg4[%add3A_154, %dma_wait3A_155] : memref<16384x2048xf32, #tpu.memory_space<hbm>> -> memref<8x2048xf32, #tpu.memory_space<hbm>>
        %dma_wait3A_157 = arith.constant 0 : i32
        %dma_wait3A_158 = tpu.memref_slice %arg4[%add3A_154, %dma_wait3A_157] : memref<16384x2048xf32, #tpu.memory_space<hbm>> -> memref<8x2048xf32, #tpu.memory_space<hbm>>
        tpu.wait_dma2 semaphore(%arg16 : memref<!tpu.dma_semaphore, #tpu.memory_space<semaphore_mem>>) src(%arg10 : memref<8x2048xf32, #tpu.memory_space<vmem>>) dst(%dma_wait3A_158 : memref<8x2048xf32, #tpu.memory_space<hbm>>)
      } else {
      }
      %parallel_loop3A = arith.constant 0 : i32
      %parallel_loop3A_49 = arith.constant 128 : i32
      %parallel_loop3A_50 = arith.constant 1 : i32
      scf.for %parallel_loop3A_151 = %parallel_loop3A to %parallel_loop3A_49 step %parallel_loop3A_50  : i32 {
        %parallel_loop3A_152 = arith.constant 16 : i32
        %parallel_loop3A_153 = arith.muli %parallel_loop3A_151, %parallel_loop3A_152 : i32
        %parallel_loop3A_154 = tpu.assume_multiple %parallel_loop3A_153, 16 : i32
        %parallel_loop3A_155 = arith.index_cast %parallel_loop3A_154 : i32 to index
        %parallel_loop3A_156 = tpu.vector_load %arg5[%parallel_loop3A_155] {strides = array<i32>} : memref<2048xi32, #tpu.memory_space<vmem>>, vector<16xi32>,
        %parallel_loop3A_157 = arith.constant 0 : i32
        %parallel_loop3A_158 = vector.broadcast %parallel_loop3A_157 : i32 to vector<16xi32>
        %parallel_loop3A_159 = tpu.vector_load_idx %arg6[%parallel_loop3A_158, %parallel_loop3A_156] : memref<8x2048xf32, #tpu.memory_space<vmem>>[vector<16xi32>, vector<16xi32>], vector<16xf32>,
        %parallel_loop3A_160 = arith.constant 1 : i32
        %parallel_loop3A_161 = vector.broadcast %parallel_loop3A_160 : i32 to vector<16xi32>
        %parallel_loop3A_162 = tpu.vector_load_idx %arg6[%parallel_loop3A_161, %parallel_loop3A_156] : memref<8x2048xf32, #tpu.memory_space<vmem>>[vector<16xi32>, vector<16xi32>], vector<16xf32>,
        %parallel_loop3A_163 = arith.constant 2 : i32
        %parallel_loop3A_164 = vector.broadcast %parallel_loop3A_163 : i32 to vector<16xi32>
        %parallel_loop3A_165 = tpu.vector_load_idx %arg6[%parallel_loop3A_164, %parallel_loop3A_156] : memref<8x2048xf32, #tpu.memory_space<vmem>>[vector<16xi32>, vector<16xi32>], vector<16xf32>,
        %parallel_loop3A_166 = arith.constant 3 : i32
        %parallel_loop3A_167 = vector.broadcast %parallel_loop3A_166 : i32 to vector<16xi32>
        %parallel_loop3A_168 = tpu.vector_load_idx %arg6[%parallel_loop3A_167, %parallel_loop3A_156] : memref<8x2048xf32, #tpu.memory_space<vmem>>[vector<16xi32>, vector<16xi32>], vector<16xf32>,
        %parallel_loop3A_169 = arith.constant 4 : i32
        %parallel_loop3A_170 = vector.broadcast %parallel_loop3A_169 : i32 to vector<16xi32>
        %parallel_loop3A_171 = tpu.vector_load_idx %arg6[%parallel_loop3A_170, %parallel_loop3A_156] : memref<8x2048xf32, #tpu.memory_space<vmem>>[vector<16xi32>, vector<16xi32>], vector<16xf32>,
        %parallel_loop3A_172 = arith.constant 5 : i32
        %parallel_loop3A_173 = vector.broadcast %parallel_loop3A_172 : i32 to vector<16xi32>
        %parallel_loop3A_174 = tpu.vector_load_idx %arg6[%parallel_loop3A_173, %parallel_loop3A_156] : memref<8x2048xf32, #tpu.memory_space<vmem>>[vector<16xi32>, vector<16xi32>], vector<16xf32>,
        %parallel_loop3A_175 = arith.constant 6 : i32
        %parallel_loop3A_176 = vector.broadcast %parallel_loop3A_175 : i32 to vector<16xi32>
        %parallel_loop3A_177 = tpu.vector_load_idx %arg6[%parallel_loop3A_176, %parallel_loop3A_156] : memref<8x2048xf32, #tpu.memory_space<vmem>>[vector<16xi32>, vector<16xi32>], vector<16xf32>,
        %parallel_loop3A_178 = arith.constant 7 : i32
        %parallel_loop3A_179 = vector.broadcast %parallel_loop3A_178 : i32 to vector<16xi32>
        %parallel_loop3A_180 = tpu.vector_load_idx %arg6[%parallel_loop3A_179, %parallel_loop3A_156] : memref<8x2048xf32, #tpu.memory_space<vmem>>[vector<16xi32>, vector<16xi32>], vector<16xf32>,
        %parallel_loop3A_181 = arith.constant 0 : i32
        %parallel_loop3A_182 = arith.index_cast %parallel_loop3A_181 : i32 to index
        %parallel_loop3A_183 = arith.index_cast %parallel_loop3A_154 : i32 to index
        %parallel_loop3A_184 = tpu.vector_load %arg10[%parallel_loop3A_182, %parallel_loop3A_183] {strides = array<i32>} : memref<8x2048xf32, #tpu.memory_space<vmem>>, vector<16xf32>,
        tpu.vector_store %arg10[%parallel_loop3A_182, %parallel_loop3A_183], %parallel_loop3A_159 {strides = array<i32>} : memref<8x2048xf32, #tpu.memory_space<vmem>>, vector<16xf32>,
        %parallel_loop3A_185 = arith.constant 1 : i32
        %parallel_loop3A_186 = arith.index_cast %parallel_loop3A_185 : i32 to index
        %parallel_loop3A_187 = arith.index_cast %parallel_loop3A_154 : i32 to index
        %parallel_loop3A_188 = tpu.vector_load %arg10[%parallel_loop3A_186, %parallel_loop3A_187] {strides = array<i32>} : memref<8x2048xf32, #tpu.memory_space<vmem>>, vector<16xf32>,
        tpu.vector_store %arg10[%parallel_loop3A_186, %parallel_loop3A_187], %parallel_loop3A_162 {strides = array<i32>} : memref<8x2048xf32, #tpu.memory_space<vmem>>, vector<16xf32>,
        %parallel_loop3A_189 = arith.constant 2 : i32
        %parallel_loop3A_190 = arith.index_cast %parallel_loop3A_189 : i32 to index
        %parallel_loop3A_191 = arith.index_cast %parallel_loop3A_154 : i32 to index
        %parallel_loop3A_192 = tpu.vector_load %arg10[%parallel_loop3A_190, %parallel_loop3A_191] {strides = array<i32>} : memref<8x2048xf32, #tpu.memory_space<vmem>>, vector<16xf32>,
        tpu.vector_store %arg10[%parallel_loop3A_190, %parallel_loop3A_191], %parallel_loop3A_165 {strides = array<i32>} : memref<8x2048xf32, #tpu.memory_space<vmem>>, vector<16xf32>,
        %parallel_loop3A_193 = arith.constant 3 : i32
        %parallel_loop3A_194 = arith.index_cast %parallel_loop3A_193 : i32 to index
        %parallel_loop3A_195 = arith.index_cast %parallel_loop3A_154 : i32 to index
        %parallel_loop3A_196 = tpu.vector_load %arg10[%parallel_loop3A_194, %parallel_loop3A_195] {strides = array<i32>} : memref<8x2048xf32, #tpu.memory_space<vmem>>, vector<16xf32>,
        tpu.vector_store %arg10[%parallel_loop3A_194, %parallel_loop3A_195], %parallel_loop3A_168 {strides = array<i32>} : memref<8x2048xf32, #tpu.memory_space<vmem>>, vector<16xf32>,
        %parallel_loop3A_197 = arith.constant 4 : i32
        %parallel_loop3A_198 = arith.index_cast %parallel_loop3A_197 : i32 to index
        %parallel_loop3A_199 = arith.index_cast %parallel_loop3A_154 : i32 to index
        %parallel_loop3A_200 = tpu.vector_load %arg10[%parallel_loop3A_198, %parallel_loop3A_199] {strides = array<i32>} : memref<8x2048xf32, #tpu.memory_space<vmem>>, vector<16xf32>,
        tpu.vector_store %arg10[%parallel_loop3A_198, %parallel_loop3A_199], %parallel_loop3A_171 {strides = array<i32>} : memref<8x2048xf32, #tpu.memory_space<vmem>>, vector<16xf32>,
        %parallel_loop3A_201 = arith.constant 5 : i32
        %parallel_loop3A_202 = arith.index_cast %parallel_loop3A_201 : i32 to index
        %parallel_loop3A_203 = arith.index_cast %parallel_loop3A_154 : i32 to index
        %parallel_loop3A_204 = tpu.vector_load %arg10[%parallel_loop3A_202, %parallel_loop3A_203] {strides = array<i32>} : memref<8x2048xf32, #tpu.memory_space<vmem>>, vector<16xf32>,
        tpu.vector_store %arg10[%parallel_loop3A_202, %parallel_loop3A_203], %parallel_loop3A_174 {strides = array<i32>} : memref<8x2048xf32, #tpu.memory_space<vmem>>, vector<16xf32>,
        %parallel_loop3A_205 = arith.constant 6 : i32
        %parallel_loop3A_206 = arith.index_cast %parallel_loop3A_205 : i32 to index
        %parallel_loop3A_207 = arith.index_cast %parallel_loop3A_154 : i32 to index
        %parallel_loop3A_208 = tpu.vector_load %arg10[%parallel_loop3A_206, %parallel_loop3A_207] {strides = array<i32>} : memref<8x2048xf32, #tpu.memory_space<vmem>>, vector<16xf32>,
        tpu.vector_store %arg10[%parallel_loop3A_206, %parallel_loop3A_207], %parallel_loop3A_177 {strides = array<i32>} : memref<8x2048xf32, #tpu.memory_space<vmem>>, vector<16xf32>,
        %parallel_loop3A_209 = arith.constant 7 : i32
        %parallel_loop3A_210 = arith.index_cast %parallel_loop3A_209 : i32 to index
        %parallel_loop3A_211 = arith.index_cast %parallel_loop3A_154 : i32 to index
        %parallel_loop3A_212 = tpu.vector_load %arg10[%parallel_loop3A_210, %parallel_loop3A_211] {strides = array<i32>} : memref<8x2048xf32, #tpu.memory_space<vmem>>, vector<16xf32>,
        tpu.vector_store %arg10[%parallel_loop3A_210, %parallel_loop3A_211], %parallel_loop3A_180 {strides = array<i32>} : memref<8x2048xf32, #tpu.memory_space<vmem>>, vector<16xf32>,
      } {sc.loop_unroll_factor = 4 : i64, sc.parallel_access}
      %mul3A_51 = arith.constant 8 : i32
      %mul3A_52 = arith.muli %add3A_33, %mul3A_51 : i32
      %add3A_53 = arith.addi %mul3A_2, %mul3A_52 : i32
      %dma_start3A_54 = arith.constant 0 : i32
      %dma_start3A_55 = tpu.memref_slice %arg4[%add3A_53, %dma_start3A_54] : memref<16384x2048xf32, #tpu.memory_space<hbm>> -> memref<8x2048xf32, #tpu.memory_space<hbm>>
      %dma_start3A_56 = arith.constant 0 : i32
      %dma_start3A_57 = tpu.memref_slice %arg4[%add3A_53, %dma_start3A_56] : memref<16384x2048xf32, #tpu.memory_space<hbm>> -> memref<8x2048xf32, #tpu.memory_space<hbm>>
      tpu.enqueue_dma source(%arg10 : memref<8x2048xf32, #tpu.memory_space<vmem>>) target(%dma_start3A_57 : memref<8x2048xf32, #tpu.memory_space<hbm>>) target_semaphore(%arg16 : memref<!tpu.dma_semaphore, #tpu.memory_space<semaphore_mem>>)
      %add3A_58 = arith.constant 1 : i32
      %add3A_59 = arith.addi %add3A_33, %add3A_58 : i32
      %add3A_60 = arith.constant 2 : i32
      %add3A_61 = arith.addi %add3A_59, %add3A_60 : i32
      %lt3A_62 = arith.constant 44 : i32
      %lt3A_63 = arith.cmpi slt, %add3A_61, %lt3A_62 : i32
      %convert_element_type3A_64 = arith.extui %lt3A_63 : i1 to i32
      %cond3A_65 = arith.constant 0 : i32
      %cond3A_66 = arith.cmpi ne, %convert_element_type3A_64, %cond3A_65 : i32
      scf.if %cond3A_66 {
        %add3A_151 = arith.constant 2 : i32
        %add3A_152 = arith.addi %add3A_59, %add3A_151 : i32
        %mul3A_153 = arith.constant 8 : i32
        %mul3A_154 = arith.muli %add3A_152, %mul3A_153 : i32
        %add3A_155 = arith.addi %mul3A_2, %mul3A_154 : i32
        %dma_start3A_156 = arith.constant 0 : i32
        %dma_start3A_157 = tpu.memref_slice %arg2[%add3A_155, %dma_start3A_156] : memref<16384x2048xf32, #tpu.memory_space<hbm>> -> memref<8x2048xf32, #tpu.memory_space<hbm>>
        %dma_start3A_158 = arith.constant 0 : i32
        %dma_start3A_159 = tpu.memref_slice %arg2[%add3A_155, %dma_start3A_158] : memref<16384x2048xf32, #tpu.memory_space<hbm>> -> memref<8x2048xf32, #tpu.memory_space<hbm>>
        tpu.enqueue_dma source(%dma_start3A_159 : memref<8x2048xf32, #tpu.memory_space<hbm>>) target(%arg9 : memref<8x2048xf32, #tpu.memory_space<vmem>>) target_semaphore(%arg15 : memref<!tpu.dma_semaphore, #tpu.memory_space<semaphore_mem>>)
      } else {
      }
      %mul3A_67 = arith.constant 8 : i32
      %mul3A_68 = arith.muli %add3A_59, %mul3A_67 : i32
      %add3A_69 = arith.addi %mul3A_2, %mul3A_68 : i32
      %dma_wait3A_70 = arith.constant 0 : i32
      %dma_wait3A_71 = tpu.memref_slice %arg2[%add3A_69, %dma_wait3A_70] : memref<16384x2048xf32, #tpu.memory_space<hbm>> -> memref<8x2048xf32, #tpu.memory_space<hbm>>
      %dma_wait3A_72 = arith.constant 0 : i32
      %dma_wait3A_73 = tpu.memref_slice %arg2[%add3A_69, %dma_wait3A_72] : memref<16384x2048xf32, #tpu.memory_space<hbm>> -> memref<8x2048xf32, #tpu.memory_space<hbm>>
      tpu.wait_dma2 semaphore(%arg13 : memref<!tpu.dma_semaphore, #tpu.memory_space<semaphore_mem>>) src(%dma_wait3A_73 : memref<8x2048xf32, #tpu.memory_space<hbm>>) dst(%arg7 : memref<8x2048xf32, #tpu.memory_space<vmem>>)
      %ge3A_74 = arith.constant 2 : i32
      %ge3A_75 = arith.cmpi sge, %add3A_59, %ge3A_74 : i32
      %convert_element_type3A_76 = arith.extui %ge3A_75 : i1 to i32
      %cond3A_77 = arith.constant 0 : i32
      %cond3A_78 = arith.cmpi ne, %convert_element_type3A_76, %cond3A_77 : i32
      scf.if %cond3A_78 {
        %sub3A = arith.constant 2 : i32
        %sub3A_151 = arith.subi %add3A_59, %sub3A : i32
        %mul3A_152 = arith.constant 8 : i32
        %mul3A_153 = arith.muli %sub3A_151, %mul3A_152 : i32
        %add3A_154 = arith.addi %mul3A_2, %mul3A_153 : i32
        %dma_wait3A_155 = arith.constant 0 : i32
        %dma_wait3A_156 = tpu.memref_slice %arg4[%add3A_154, %dma_wait3A_155] : memref<16384x2048xf32, #tpu.memory_space<hbm>> -> memref<8x2048xf32, #tpu.memory_space<hbm>>
        %dma_wait3A_157 = arith.constant 0 : i32
        %dma_wait3A_158 = tpu.memref_slice %arg4[%add3A_154, %dma_wait3A_157] : memref<16384x2048xf32, #tpu.memory_space<hbm>> -> memref<8x2048xf32, #tpu.memory_space<hbm>>
        tpu.wait_dma2 semaphore(%arg17 : memref<!tpu.dma_semaphore, #tpu.memory_space<semaphore_mem>>) src(%arg11 : memref<8x2048xf32, #tpu.memory_space<vmem>>) dst(%dma_wait3A_158 : memref<8x2048xf32, #tpu.memory_space<hbm>>)
      } else {
      }
      %parallel_loop3A_79 = arith.constant 0 : i32
      %parallel_loop3A_80 = arith.constant 128 : i32
      %parallel_loop3A_81 = arith.constant 1 : i32
      scf.for %parallel_loop3A_151 = %parallel_loop3A_79 to %parallel_loop3A_80 step %parallel_loop3A_81  : i32 {
        %parallel_loop3A_152 = arith.constant 16 : i32
        %parallel_loop3A_153 = arith.muli %parallel_loop3A_151, %parallel_loop3A_152 : i32
        %parallel_loop3A_154 = tpu.assume_multiple %parallel_loop3A_153, 16 : i32
        %parallel_loop3A_155 = arith.index_cast %parallel_loop3A_154 : i32 to index
        %parallel_loop3A_156 = tpu.vector_load %arg5[%parallel_loop3A_155] {strides = array<i32>} : memref<2048xi32, #tpu.memory_space<vmem>>, vector<16xi32>,
        %parallel_loop3A_157 = arith.constant 0 : i32
        %parallel_loop3A_158 = vector.broadcast %parallel_loop3A_157 : i32 to vector<16xi32>
        %parallel_loop3A_159 = tpu.vector_load_idx %arg7[%parallel_loop3A_158, %parallel_loop3A_156] : memref<8x2048xf32, #tpu.memory_space<vmem>>[vector<16xi32>, vector<16xi32>], vector<16xf32>,
        %parallel_loop3A_160 = arith.constant 1 : i32
        %parallel_loop3A_161 = vector.broadcast %parallel_loop3A_160 : i32 to vector<16xi32>
        %parallel_loop3A_162 = tpu.vector_load_idx %arg7[%parallel_loop3A_161, %parallel_loop3A_156] : memref<8x2048xf32, #tpu.memory_space<vmem>>[vector<16xi32>, vector<16xi32>], vector<16xf32>,
        %parallel_loop3A_163 = arith.constant 2 : i32
        %parallel_loop3A_164 = vector.broadcast %parallel_loop3A_163 : i32 to vector<16xi32>
        %parallel_loop3A_165 = tpu.vector_load_idx %arg7[%parallel_loop3A_164, %parallel_loop3A_156] : memref<8x2048xf32, #tpu.memory_space<vmem>>[vector<16xi32>, vector<16xi32>], vector<16xf32>,
        %parallel_loop3A_166 = arith.constant 3 : i32
        %parallel_loop3A_167 = vector.broadcast %parallel_loop3A_166 : i32 to vector<16xi32>
        %parallel_loop3A_168 = tpu.vector_load_idx %arg7[%parallel_loop3A_167, %parallel_loop3A_156] : memref<8x2048xf32, #tpu.memory_space<vmem>>[vector<16xi32>, vector<16xi32>], vector<16xf32>,
        %parallel_loop3A_169 = arith.constant 4 : i32
        %parallel_loop3A_170 = vector.broadcast %parallel_loop3A_169 : i32 to vector<16xi32>
        %parallel_loop3A_171 = tpu.vector_load_idx %arg7[%parallel_loop3A_170, %parallel_loop3A_156] : memref<8x2048xf32, #tpu.memory_space<vmem>>[vector<16xi32>, vector<16xi32>], vector<16xf32>,
        %parallel_loop3A_172 = arith.constant 5 : i32
        %parallel_loop3A_173 = vector.broadcast %parallel_loop3A_172 : i32 to vector<16xi32>
        %parallel_loop3A_174 = tpu.vector_load_idx %arg7[%parallel_loop3A_173, %parallel_loop3A_156] : memref<8x2048xf32, #tpu.memory_space<vmem>>[vector<16xi32>, vector<16xi32>], vector<16xf32>,
        %parallel_loop3A_175 = arith.constant 6 : i32
        %parallel_loop3A_176 = vector.broadcast %parallel_loop3A_175 : i32 to vector<16xi32>
        %parallel_loop3A_177 = tpu.vector_load_idx %arg7[%parallel_loop3A_176, %parallel_loop3A_156] : memref<8x2048xf32, #tpu.memory_space<vmem>>[vector<16xi32>, vector<16xi32>], vector<16xf32>,
        %parallel_loop3A_178 = arith.constant 7 : i32
        %parallel_loop3A_179 = vector.broadcast %parallel_loop3A_178 : i32 to vector<16xi32>
        %parallel_loop3A_180 = tpu.vector_load_idx %arg7[%parallel_loop3A_179, %parallel_loop3A_156] : memref<8x2048xf32, #tpu.memory_space<vmem>>[vector<16xi32>, vector<16xi32>], vector<16xf32>,
        %parallel_loop3A_181 = arith.constant 0 : i32
        %parallel_loop3A_182 = arith.index_cast %parallel_loop3A_181 : i32 to index
        %parallel_loop3A_183 = arith.index_cast %parallel_loop3A_154 : i32 to index
        %parallel_loop3A_184 = tpu.vector_load %arg11[%parallel_loop3A_182, %parallel_loop3A_183] {strides = array<i32>} : memref<8x2048xf32, #tpu.memory_space<vmem>>, vector<16xf32>,
        tpu.vector_store %arg11[%parallel_loop3A_182, %parallel_loop3A_183], %parallel_loop3A_159 {strides = array<i32>} : memref<8x2048xf32, #tpu.memory_space<vmem>>, vector<16xf32>,
        %parallel_loop3A_185 = arith.constant 1 : i32
        %parallel_loop3A_186 = arith.index_cast %parallel_loop3A_185 : i32 to index
        %parallel_loop3A_187 = arith.index_cast %parallel_loop3A_154 : i32 to index
        %parallel_loop3A_188 = tpu.vector_load %arg11[%parallel_loop3A_186, %parallel_loop3A_187] {strides = array<i32>} : memref<8x2048xf32, #tpu.memory_space<vmem>>, vector<16xf32>,
        tpu.vector_store %arg11[%parallel_loop3A_186, %parallel_loop3A_187], %parallel_loop3A_162 {strides = array<i32>} : memref<8x2048xf32, #tpu.memory_space<vmem>>, vector<16xf32>,
        %parallel_loop3A_189 = arith.constant 2 : i32
        %parallel_loop3A_190 = arith.index_cast %parallel_loop3A_189 : i32 to index
        %parallel_loop3A_191 = arith.index_cast %parallel_loop3A_154 : i32 to index
        %parallel_loop3A_192 = tpu.vector_load %arg11[%parallel_loop3A_190, %parallel_loop3A_191] {strides = array<i32>} : memref<8x2048xf32, #tpu.memory_space<vmem>>, vector<16xf32>,
        tpu.vector_store %arg11[%parallel_loop3A_190, %parallel_loop3A_191], %parallel_loop3A_165 {strides = array<i32>} : memref<8x2048xf32, #tpu.memory_space<vmem>>, vector<16xf32>,
        %parallel_loop3A_193 = arith.constant 3 : i32
        %parallel_loop3A_194 = arith.index_cast %parallel_loop3A_193 : i32 to index
        %parallel_loop3A_195 = arith.index_cast %parallel_loop3A_154 : i32 to index
        %parallel_loop3A_196 = tpu.vector_load %arg11[%parallel_loop3A_194, %parallel_loop3A_195] {strides = array<i32>} : memref<8x2048xf32, #tpu.memory_space<vmem>>, vector<16xf32>,
        tpu.vector_store %arg11[%parallel_loop3A_194, %parallel_loop3A_195], %parallel_loop3A_168 {strides = array<i32>} : memref<8x2048xf32, #tpu.memory_space<vmem>>, vector<16xf32>,
        %parallel_loop3A_197 = arith.constant 4 : i32
        %parallel_loop3A_198 = arith.index_cast %parallel_loop3A_197 : i32 to index
        %parallel_loop3A_199 = arith.index_cast %parallel_loop3A_154 : i32 to index
        %parallel_loop3A_200 = tpu.vector_load %arg11[%parallel_loop3A_198, %parallel_loop3A_199] {strides = array<i32>} : memref<8x2048xf32, #tpu.memory_space<vmem>>, vector<16xf32>,
        tpu.vector_store %arg11[%parallel_loop3A_198, %parallel_loop3A_199], %parallel_loop3A_171 {strides = array<i32>} : memref<8x2048xf32, #tpu.memory_space<vmem>>, vector<16xf32>,
        %parallel_loop3A_201 = arith.constant 5 : i32
        %parallel_loop3A_202 = arith.index_cast %parallel_loop3A_201 : i32 to index
        %parallel_loop3A_203 = arith.index_cast %parallel_loop3A_154 : i32 to index
        %parallel_loop3A_204 = tpu.vector_load %arg11[%parallel_loop3A_202, %parallel_loop3A_203] {strides = array<i32>} : memref<8x2048xf32, #tpu.memory_space<vmem>>, vector<16xf32>,
        tpu.vector_store %arg11[%parallel_loop3A_202, %parallel_loop3A_203], %parallel_loop3A_174 {strides = array<i32>} : memref<8x2048xf32, #tpu.memory_space<vmem>>, vector<16xf32>,
        %parallel_loop3A_205 = arith.constant 6 : i32
        %parallel_loop3A_206 = arith.index_cast %parallel_loop3A_205 : i32 to index
        %parallel_loop3A_207 = arith.index_cast %parallel_loop3A_154 : i32 to index
        %parallel_loop3A_208 = tpu.vector_load %arg11[%parallel_loop3A_206, %parallel_loop3A_207] {strides = array<i32>} : memref<8x2048xf32, #tpu.memory_space<vmem>>, vector<16xf32>,
        tpu.vector_store %arg11[%parallel_loop3A_206, %parallel_loop3A_207], %parallel_loop3A_177 {strides = array<i32>} : memref<8x2048xf32, #tpu.memory_space<vmem>>, vector<16xf32>,
        %parallel_loop3A_209 = arith.constant 7 : i32
        %parallel_loop3A_210 = arith.index_cast %parallel_loop3A_209 : i32 to index
        %parallel_loop3A_211 = arith.index_cast %parallel_loop3A_154 : i32 to index
        %parallel_loop3A_212 = tpu.vector_load %arg11[%parallel_loop3A_210, %parallel_loop3A_211] {strides = array<i32>} : memref<8x2048xf32, #tpu.memory_space<vmem>>, vector<16xf32>,
        tpu.vector_store %arg11[%parallel_loop3A_210, %parallel_loop3A_211], %parallel_loop3A_180 {strides = array<i32>} : memref<8x2048xf32, #tpu.memory_space<vmem>>, vector<16xf32>,
      } {sc.loop_unroll_factor = 4 : i64, sc.parallel_access}
      %mul3A_82 = arith.constant 8 : i32
      %mul3A_83 = arith.muli %add3A_59, %mul3A_82 : i32
      %add3A_84 = arith.addi %mul3A_2, %mul3A_83 : i32
      %dma_start3A_85 = arith.constant 0 : i32
      %dma_start3A_86 = tpu.memref_slice %arg4[%add3A_84, %dma_start3A_85] : memref<16384x2048xf32, #tpu.memory_space<hbm>> -> memref<8x2048xf32, #tpu.memory_space<hbm>>
      %dma_start3A_87 = arith.constant 0 : i32
      %dma_start3A_88 = tpu.memref_slice %arg4[%add3A_84, %dma_start3A_87] : memref<16384x2048xf32, #tpu.memory_space<hbm>> -> memref<8x2048xf32, #tpu.memory_space<hbm>>
      tpu.enqueue_dma source(%arg11 : memref<8x2048xf32, #tpu.memory_space<vmem>>) target(%dma_start3A_88 : memref<8x2048xf32, #tpu.memory_space<hbm>>) target_semaphore(%arg17 : memref<!tpu.dma_semaphore, #tpu.memory_space<semaphore_mem>>)
      %add3A_89 = arith.constant 2 : i32
      %add3A_90 = arith.addi %add3A_33, %add3A_89 : i32
      %add3A_91 = arith.constant 2 : i32
      %add3A_92 = arith.addi %add3A_90, %add3A_91 : i32
      %lt3A_93 = arith.constant 44 : i32
      %lt3A_94 = arith.cmpi slt, %add3A_92, %lt3A_93 : i32
      %convert_element_type3A_95 = arith.extui %lt3A_94 : i1 to i32
      %cond3A_96 = arith.constant 0 : i32
      %cond3A_97 = arith.cmpi ne, %convert_element_type3A_95, %cond3A_96 : i32
      scf.if %cond3A_97 {
        %add3A_151 = arith.constant 2 : i32
        %add3A_152 = arith.addi %add3A_90, %add3A_151 : i32
        %mul3A_153 = arith.constant 8 : i32
        %mul3A_154 = arith.muli %add3A_152, %mul3A_153 : i32
        %add3A_155 = arith.addi %mul3A_2, %mul3A_154 : i32
        %dma_start3A_156 = arith.constant 0 : i32
        %dma_start3A_157 = tpu.memref_slice %arg2[%add3A_155, %dma_start3A_156] : memref<16384x2048xf32, #tpu.memory_space<hbm>> -> memref<8x2048xf32, #tpu.memory_space<hbm>>
        %dma_start3A_158 = arith.constant 0 : i32
        %dma_start3A_159 = tpu.memref_slice %arg2[%add3A_155, %dma_start3A_158] : memref<16384x2048xf32, #tpu.memory_space<hbm>> -> memref<8x2048xf32, #tpu.memory_space<hbm>>
        tpu.enqueue_dma source(%dma_start3A_159 : memref<8x2048xf32, #tpu.memory_space<hbm>>) target(%arg6 : memref<8x2048xf32, #tpu.memory_space<vmem>>) target_semaphore(%arg12 : memref<!tpu.dma_semaphore, #tpu.memory_space<semaphore_mem>>)
      } else {
      }
      %mul3A_98 = arith.constant 8 : i32
      %mul3A_99 = arith.muli %add3A_90, %mul3A_98 : i32
      %add3A_100 = arith.addi %mul3A_2, %mul3A_99 : i32
      %dma_wait3A_101 = arith.constant 0 : i32
      %dma_wait3A_102 = tpu.memref_slice %arg2[%add3A_100, %dma_wait3A_101] : memref<16384x2048xf32, #tpu.memory_space<hbm>> -> memref<8x2048xf32, #tpu.memory_space<hbm>>
      %dma_wait3A_103 = arith.constant 0 : i32
      %dma_wait3A_104 = tpu.memref_slice %arg2[%add3A_100, %dma_wait3A_103] : memref<16384x2048xf32, #tpu.memory_space<hbm>> -> memref<8x2048xf32, #tpu.memory_space<hbm>>
      tpu.wait_dma2 semaphore(%arg14 : memref<!tpu.dma_semaphore, #tpu.memory_space<semaphore_mem>>) src(%dma_wait3A_104 : memref<8x2048xf32, #tpu.memory_space<hbm>>) dst(%arg8 : memref<8x2048xf32, #tpu.memory_space<vmem>>)
      %ge3A_105 = arith.constant 2 : i32
      %ge3A_106 = arith.cmpi sge, %add3A_90, %ge3A_105 : i32
      %convert_element_type3A_107 = arith.extui %ge3A_106 : i1 to i32
      %cond3A_108 = arith.constant 0 : i32
      %cond3A_109 = arith.cmpi ne, %convert_element_type3A_107, %cond3A_108 : i32
      scf.if %cond3A_109 {
        %sub3A = arith.constant 2 : i32
        %sub3A_151 = arith.subi %add3A_90, %sub3A : i32
        %mul3A_152 = arith.constant 8 : i32
        %mul3A_153 = arith.muli %sub3A_151, %mul3A_152 : i32
        %add3A_154 = arith.addi %mul3A_2, %mul3A_153 : i32
        %dma_wait3A_155 = arith.constant 0 : i32
        %dma_wait3A_156 = tpu.memref_slice %arg4[%add3A_154, %dma_wait3A_155] : memref<16384x2048xf32, #tpu.memory_space<hbm>> -> memref<8x2048xf32, #tpu.memory_space<hbm>>
        %dma_wait3A_157 = arith.constant 0 : i32
        %dma_wait3A_158 = tpu.memref_slice %arg4[%add3A_154, %dma_wait3A_157] : memref<16384x2048xf32, #tpu.memory_space<hbm>> -> memref<8x2048xf32, #tpu.memory_space<hbm>>
        tpu.wait_dma2 semaphore(%arg16 : memref<!tpu.dma_semaphore, #tpu.memory_space<semaphore_mem>>) src(%arg10 : memref<8x2048xf32, #tpu.memory_space<vmem>>) dst(%dma_wait3A_158 : memref<8x2048xf32, #tpu.memory_space<hbm>>)
      } else {
      }
      %parallel_loop3A_110 = arith.constant 0 : i32
      %parallel_loop3A_111 = arith.constant 128 : i32
      %parallel_loop3A_112 = arith.constant 1 : i32
      scf.for %parallel_loop3A_151 = %parallel_loop3A_110 to %parallel_loop3A_111 step %parallel_loop3A_112  : i32 {
        %parallel_loop3A_152 = arith.constant 16 : i32
        %parallel_loop3A_153 = arith.muli %parallel_loop3A_151, %parallel_loop3A_152 : i32
        %parallel_loop3A_154 = tpu.assume_multiple %parallel_loop3A_153, 16 : i32
        %parallel_loop3A_155 = arith.index_cast %parallel_loop3A_154 : i32 to index
        %parallel_loop3A_156 = tpu.vector_load %arg5[%parallel_loop3A_155] {strides = array<i32>} : memref<2048xi32, #tpu.memory_space<vmem>>, vector<16xi32>,
        %parallel_loop3A_157 = arith.constant 0 : i32
        %parallel_loop3A_158 = vector.broadcast %parallel_loop3A_157 : i32 to vector<16xi32>
        %parallel_loop3A_159 = tpu.vector_load_idx %arg8[%parallel_loop3A_158, %parallel_loop3A_156] : memref<8x2048xf32, #tpu.memory_space<vmem>>[vector<16xi32>, vector<16xi32>], vector<16xf32>,
        %parallel_loop3A_160 = arith.constant 1 : i32
        %parallel_loop3A_161 = vector.broadcast %parallel_loop3A_160 : i32 to vector<16xi32>
        %parallel_loop3A_162 = tpu.vector_load_idx %arg8[%parallel_loop3A_161, %parallel_loop3A_156] : memref<8x2048xf32, #tpu.memory_space<vmem>>[vector<16xi32>, vector<16xi32>], vector<16xf32>,
        %parallel_loop3A_163 = arith.constant 2 : i32
        %parallel_loop3A_164 = vector.broadcast %parallel_loop3A_163 : i32 to vector<16xi32>
        %parallel_loop3A_165 = tpu.vector_load_idx %arg8[%parallel_loop3A_164, %parallel_loop3A_156] : memref<8x2048xf32, #tpu.memory_space<vmem>>[vector<16xi32>, vector<16xi32>], vector<16xf32>,
        %parallel_loop3A_166 = arith.constant 3 : i32
        %parallel_loop3A_167 = vector.broadcast %parallel_loop3A_166 : i32 to vector<16xi32>
        %parallel_loop3A_168 = tpu.vector_load_idx %arg8[%parallel_loop3A_167, %parallel_loop3A_156] : memref<8x2048xf32, #tpu.memory_space<vmem>>[vector<16xi32>, vector<16xi32>], vector<16xf32>,
        %parallel_loop3A_169 = arith.constant 4 : i32
        %parallel_loop3A_170 = vector.broadcast %parallel_loop3A_169 : i32 to vector<16xi32>
        %parallel_loop3A_171 = tpu.vector_load_idx %arg8[%parallel_loop3A_170, %parallel_loop3A_156] : memref<8x2048xf32, #tpu.memory_space<vmem>>[vector<16xi32>, vector<16xi32>], vector<16xf32>,
        %parallel_loop3A_172 = arith.constant 5 : i32
        %parallel_loop3A_173 = vector.broadcast %parallel_loop3A_172 : i32 to vector<16xi32>
        %parallel_loop3A_174 = tpu.vector_load_idx %arg8[%parallel_loop3A_173, %parallel_loop3A_156] : memref<8x2048xf32, #tpu.memory_space<vmem>>[vector<16xi32>, vector<16xi32>], vector<16xf32>,
        %parallel_loop3A_175 = arith.constant 6 : i32
        %parallel_loop3A_176 = vector.broadcast %parallel_loop3A_175 : i32 to vector<16xi32>
        %parallel_loop3A_177 = tpu.vector_load_idx %arg8[%parallel_loop3A_176, %parallel_loop3A_156] : memref<8x2048xf32, #tpu.memory_space<vmem>>[vector<16xi32>, vector<16xi32>], vector<16xf32>,
        %parallel_loop3A_178 = arith.constant 7 : i32
        %parallel_loop3A_179 = vector.broadcast %parallel_loop3A_178 : i32 to vector<16xi32>
        %parallel_loop3A_180 = tpu.vector_load_idx %arg8[%parallel_loop3A_179, %parallel_loop3A_156] : memref<8x2048xf32, #tpu.memory_space<vmem>>[vector<16xi32>, vector<16xi32>], vector<16xf32>,
        %parallel_loop3A_181 = arith.constant 0 : i32
        %parallel_loop3A_182 = arith.index_cast %parallel_loop3A_181 : i32 to index
        %parallel_loop3A_183 = arith.index_cast %parallel_loop3A_154 : i32 to index
        %parallel_loop3A_184 = tpu.vector_load %arg10[%parallel_loop3A_182, %parallel_loop3A_183] {strides = array<i32>} : memref<8x2048xf32, #tpu.memory_space<vmem>>, vector<16xf32>,
        tpu.vector_store %arg10[%parallel_loop3A_182, %parallel_loop3A_183], %parallel_loop3A_159 {strides = array<i32>} : memref<8x2048xf32, #tpu.memory_space<vmem>>, vector<16xf32>,
        %parallel_loop3A_185 = arith.constant 1 : i32
        %parallel_loop3A_186 = arith.index_cast %parallel_loop3A_185 : i32 to index
        %parallel_loop3A_187 = arith.index_cast %parallel_loop3A_154 : i32 to index
        %parallel_loop3A_188 = tpu.vector_load %arg10[%parallel_loop3A_186, %parallel_loop3A_187] {strides = array<i32>} : memref<8x2048xf32, #tpu.memory_space<vmem>>, vector<16xf32>,
        tpu.vector_store %arg10[%parallel_loop3A_186, %parallel_loop3A_187], %parallel_loop3A_162 {strides = array<i32>} : memref<8x2048xf32, #tpu.memory_space<vmem>>, vector<16xf32>,
        %parallel_loop3A_189 = arith.constant 2 : i32
        %parallel_loop3A_190 = arith.index_cast %parallel_loop3A_189 : i32 to index
        %parallel_loop3A_191 = arith.index_cast %parallel_loop3A_154 : i32 to index
        %parallel_loop3A_192 = tpu.vector_load %arg10[%parallel_loop3A_190, %parallel_loop3A_191] {strides = array<i32>} : memref<8x2048xf32, #tpu.memory_space<vmem>>, vector<16xf32>,
        tpu.vector_store %arg10[%parallel_loop3A_190, %parallel_loop3A_191], %parallel_loop3A_165 {strides = array<i32>} : memref<8x2048xf32, #tpu.memory_space<vmem>>, vector<16xf32>,
        %parallel_loop3A_193 = arith.constant 3 : i32
        %parallel_loop3A_194 = arith.index_cast %parallel_loop3A_193 : i32 to index
        %parallel_loop3A_195 = arith.index_cast %parallel_loop3A_154 : i32 to index
        %parallel_loop3A_196 = tpu.vector_load %arg10[%parallel_loop3A_194, %parallel_loop3A_195] {strides = array<i32>} : memref<8x2048xf32, #tpu.memory_space<vmem>>, vector<16xf32>,
        tpu.vector_store %arg10[%parallel_loop3A_194, %parallel_loop3A_195], %parallel_loop3A_168 {strides = array<i32>} : memref<8x2048xf32, #tpu.memory_space<vmem>>, vector<16xf32>,
        %parallel_loop3A_197 = arith.constant 4 : i32
        %parallel_loop3A_198 = arith.index_cast %parallel_loop3A_197 : i32 to index
        %parallel_loop3A_199 = arith.index_cast %parallel_loop3A_154 : i32 to index
        %parallel_loop3A_200 = tpu.vector_load %arg10[%parallel_loop3A_198, %parallel_loop3A_199] {strides = array<i32>} : memref<8x2048xf32, #tpu.memory_space<vmem>>, vector<16xf32>,
        tpu.vector_store %arg10[%parallel_loop3A_198, %parallel_loop3A_199], %parallel_loop3A_171 {strides = array<i32>} : memref<8x2048xf32, #tpu.memory_space<vmem>>, vector<16xf32>,
        %parallel_loop3A_201 = arith.constant 5 : i32
        %parallel_loop3A_202 = arith.index_cast %parallel_loop3A_201 : i32 to index
        %parallel_loop3A_203 = arith.index_cast %parallel_loop3A_154 : i32 to index
        %parallel_loop3A_204 = tpu.vector_load %arg10[%parallel_loop3A_202, %parallel_loop3A_203] {strides = array<i32>} : memref<8x2048xf32, #tpu.memory_space<vmem>>, vector<16xf32>,
        tpu.vector_store %arg10[%parallel_loop3A_202, %parallel_loop3A_203], %parallel_loop3A_174 {strides = array<i32>} : memref<8x2048xf32, #tpu.memory_space<vmem>>, vector<16xf32>,
        %parallel_loop3A_205 = arith.constant 6 : i32
        %parallel_loop3A_206 = arith.index_cast %parallel_loop3A_205 : i32 to index
        %parallel_loop3A_207 = arith.index_cast %parallel_loop3A_154 : i32 to index
        %parallel_loop3A_208 = tpu.vector_load %arg10[%parallel_loop3A_206, %parallel_loop3A_207] {strides = array<i32>} : memref<8x2048xf32, #tpu.memory_space<vmem>>, vector<16xf32>,
        tpu.vector_store %arg10[%parallel_loop3A_206, %parallel_loop3A_207], %parallel_loop3A_177 {strides = array<i32>} : memref<8x2048xf32, #tpu.memory_space<vmem>>, vector<16xf32>,
        %parallel_loop3A_209 = arith.constant 7 : i32
        %parallel_loop3A_210 = arith.index_cast %parallel_loop3A_209 : i32 to index
        %parallel_loop3A_211 = arith.index_cast %parallel_loop3A_154 : i32 to index
        %parallel_loop3A_212 = tpu.vector_load %arg10[%parallel_loop3A_210, %parallel_loop3A_211] {strides = array<i32>} : memref<8x2048xf32, #tpu.memory_space<vmem>>, vector<16xf32>,
        tpu.vector_store %arg10[%parallel_loop3A_210, %parallel_loop3A_211], %parallel_loop3A_180 {strides = array<i32>} : memref<8x2048xf32, #tpu.memory_space<vmem>>, vector<16xf32>,
      } {sc.loop_unroll_factor = 4 : i64, sc.parallel_access}
      %mul3A_113 = arith.constant 8 : i32
      %mul3A_114 = arith.muli %add3A_90, %mul3A_113 : i32
      %add3A_115 = arith.addi %mul3A_2, %mul3A_114 : i32
      %dma_start3A_116 = arith.constant 0 : i32
      %dma_start3A_117 = tpu.memref_slice %arg4[%add3A_115, %dma_start3A_116] : memref<16384x2048xf32, #tpu.memory_space<hbm>> -> memref<8x2048xf32, #tpu.memory_space<hbm>>
      %dma_start3A_118 = arith.constant 0 : i32
      %dma_start3A_119 = tpu.memref_slice %arg4[%add3A_115, %dma_start3A_118] : memref<16384x2048xf32, #tpu.memory_space<hbm>> -> memref<8x2048xf32, #tpu.memory_space<hbm>>
      tpu.enqueue_dma source(%arg10 : memref<8x2048xf32, #tpu.memory_space<vmem>>) target(%dma_start3A_119 : memref<8x2048xf32, #tpu.memory_space<hbm>>) target_semaphore(%arg16 : memref<!tpu.dma_semaphore, #tpu.memory_space<semaphore_mem>>)
      %add3A_120 = arith.constant 3 : i32
      %add3A_121 = arith.addi %add3A_33, %add3A_120 : i32
      %add3A_122 = arith.constant 2 : i32
      %add3A_123 = arith.addi %add3A_121, %add3A_122 : i32
      %lt3A_124 = arith.constant 44 : i32
      %lt3A_125 = arith.cmpi slt, %add3A_123, %lt3A_124 : i32
      %convert_element_type3A_126 = arith.extui %lt3A_125 : i1 to i32
      %cond3A_127 = arith.constant 0 : i32
      %cond3A_128 = arith.cmpi ne, %convert_element_type3A_126, %cond3A_127 : i32
      scf.if %cond3A_128 {
        %add3A_151 = arith.constant 2 : i32
        %add3A_152 = arith.addi %add3A_121, %add3A_151 : i32
        %mul3A_153 = arith.constant 8 : i32
        %mul3A_154 = arith.muli %add3A_152, %mul3A_153 : i32
        %add3A_155 = arith.addi %mul3A_2, %mul3A_154 : i32
        %dma_start3A_156 = arith.constant 0 : i32
        %dma_start3A_157 = tpu.memref_slice %arg2[%add3A_155, %dma_start3A_156] : memref<16384x2048xf32, #tpu.memory_space<hbm>> -> memref<8x2048xf32, #tpu.memory_space<hbm>>
        %dma_start3A_158 = arith.constant 0 : i32
        %dma_start3A_159 = tpu.memref_slice %arg2[%add3A_155, %dma_start3A_158] : memref<16384x2048xf32, #tpu.memory_space<hbm>> -> memref<8x2048xf32, #tpu.memory_space<hbm>>
        tpu.enqueue_dma source(%dma_start3A_159 : memref<8x2048xf32, #tpu.memory_space<hbm>>) target(%arg7 : memref<8x2048xf32, #tpu.memory_space<vmem>>) target_semaphore(%arg13 : memref<!tpu.dma_semaphore, #tpu.memory_space<semaphore_mem>>)
      } else {
      }
      %mul3A_129 = arith.constant 8 : i32
      %mul3A_130 = arith.muli %add3A_121, %mul3A_129 : i32
      %add3A_131 = arith.addi %mul3A_2, %mul3A_130 : i32
      %dma_wait3A_132 = arith.constant 0 : i32
      %dma_wait3A_133 = tpu.memref_slice %arg2[%add3A_131, %dma_wait3A_132] : memref<16384x2048xf32, #tpu.memory_space<hbm>> -> memref<8x2048xf32, #tpu.memory_space<hbm>>
      %dma_wait3A_134 = arith.constant 0 : i32
      %dma_wait3A_135 = tpu.memref_slice %arg2[%add3A_131, %dma_wait3A_134] : memref<16384x2048xf32, #tpu.memory_space<hbm>> -> memref<8x2048xf32, #tpu.memory_space<hbm>>
      tpu.wait_dma2 semaphore(%arg15 : memref<!tpu.dma_semaphore, #tpu.memory_space<semaphore_mem>>) src(%dma_wait3A_135 : memref<8x2048xf32, #tpu.memory_space<hbm>>) dst(%arg9 : memref<8x2048xf32, #tpu.memory_space<vmem>>)
      %ge3A_136 = arith.constant 2 : i32
      %ge3A_137 = arith.cmpi sge, %add3A_121, %ge3A_136 : i32
      %convert_element_type3A_138 = arith.extui %ge3A_137 : i1 to i32
      %cond3A_139 = arith.constant 0 : i32
      %cond3A_140 = arith.cmpi ne, %convert_element_type3A_138, %cond3A_139 : i32
      scf.if %cond3A_140 {
        %sub3A = arith.constant 2 : i32
        %sub3A_151 = arith.subi %add3A_121, %sub3A : i32
        %mul3A_152 = arith.constant 8 : i32
        %mul3A_153 = arith.muli %sub3A_151, %mul3A_152 : i32
        %add3A_154 = arith.addi %mul3A_2, %mul3A_153 : i32
        %dma_wait3A_155 = arith.constant 0 : i32
        %dma_wait3A_156 = tpu.memref_slice %arg4[%add3A_154, %dma_wait3A_155] : memref<16384x2048xf32, #tpu.memory_space<hbm>> -> memref<8x2048xf32, #tpu.memory_space<hbm>>
        %dma_wait3A_157 = arith.constant 0 : i32
        %dma_wait3A_158 = tpu.memref_slice %arg4[%add3A_154, %dma_wait3A_157] : memref<16384x2048xf32, #tpu.memory_space<hbm>> -> memref<8x2048xf32, #tpu.memory_space<hbm>>
        tpu.wait_dma2 semaphore(%arg17 : memref<!tpu.dma_semaphore, #tpu.memory_space<semaphore_mem>>) src(%arg11 : memref<8x2048xf32, #tpu.memory_space<vmem>>) dst(%dma_wait3A_158 : memref<8x2048xf32, #tpu.memory_space<hbm>>)
      } else {
      }
      %parallel_loop3A_141 = arith.constant 0 : i32
      %parallel_loop3A_142 = arith.constant 128 : i32
      %parallel_loop3A_143 = arith.constant 1 : i32
      scf.for %parallel_loop3A_151 = %parallel_loop3A_141 to %parallel_loop3A_142 step %parallel_loop3A_143  : i32 {
        %parallel_loop3A_152 = arith.constant 16 : i32
        %parallel_loop3A_153 = arith.muli %parallel_loop3A_151, %parallel_loop3A_152 : i32
        %parallel_loop3A_154 = tpu.assume_multiple %parallel_loop3A_153, 16 : i32
        %parallel_loop3A_155 = arith.index_cast %parallel_loop3A_154 : i32 to index
        %parallel_loop3A_156 = tpu.vector_load %arg5[%parallel_loop3A_155] {strides = array<i32>} : memref<2048xi32, #tpu.memory_space<vmem>>, vector<16xi32>,
        %parallel_loop3A_157 = arith.constant 0 : i32
        %parallel_loop3A_158 = vector.broadcast %parallel_loop3A_157 : i32 to vector<16xi32>
        %parallel_loop3A_159 = tpu.vector_load_idx %arg9[%parallel_loop3A_158, %parallel_loop3A_156] : memref<8x2048xf32, #tpu.memory_space<vmem>>[vector<16xi32>, vector<16xi32>], vector<16xf32>,
        %parallel_loop3A_160 = arith.constant 1 : i32
        %parallel_loop3A_161 = vector.broadcast %parallel_loop3A_160 : i32 to vector<16xi32>
        %parallel_loop3A_162 = tpu.vector_load_idx %arg9[%parallel_loop3A_161, %parallel_loop3A_156] : memref<8x2048xf32, #tpu.memory_space<vmem>>[vector<16xi32>, vector<16xi32>], vector<16xf32>,
        %parallel_loop3A_163 = arith.constant 2 : i32
        %parallel_loop3A_164 = vector.broadcast %parallel_loop3A_163 : i32 to vector<16xi32>
        %parallel_loop3A_165 = tpu.vector_load_idx %arg9[%parallel_loop3A_164, %parallel_loop3A_156] : memref<8x2048xf32, #tpu.memory_space<vmem>>[vector<16xi32>, vector<16xi32>], vector<16xf32>,
        %parallel_loop3A_166 = arith.constant 3 : i32
        %parallel_loop3A_167 = vector.broadcast %parallel_loop3A_166 : i32 to vector<16xi32>
        %parallel_loop3A_168 = tpu.vector_load_idx %arg9[%parallel_loop3A_167, %parallel_loop3A_156] : memref<8x2048xf32, #tpu.memory_space<vmem>>[vector<16xi32>, vector<16xi32>], vector<16xf32>,
        %parallel_loop3A_169 = arith.constant 4 : i32
        %parallel_loop3A_170 = vector.broadcast %parallel_loop3A_169 : i32 to vector<16xi32>
        %parallel_loop3A_171 = tpu.vector_load_idx %arg9[%parallel_loop3A_170, %parallel_loop3A_156] : memref<8x2048xf32, #tpu.memory_space<vmem>>[vector<16xi32>, vector<16xi32>], vector<16xf32>,
        %parallel_loop3A_172 = arith.constant 5 : i32
        %parallel_loop3A_173 = vector.broadcast %parallel_loop3A_172 : i32 to vector<16xi32>
        %parallel_loop3A_174 = tpu.vector_load_idx %arg9[%parallel_loop3A_173, %parallel_loop3A_156] : memref<8x2048xf32, #tpu.memory_space<vmem>>[vector<16xi32>, vector<16xi32>], vector<16xf32>,
        %parallel_loop3A_175 = arith.constant 6 : i32
        %parallel_loop3A_176 = vector.broadcast %parallel_loop3A_175 : i32 to vector<16xi32>
        %parallel_loop3A_177 = tpu.vector_load_idx %arg9[%parallel_loop3A_176, %parallel_loop3A_156] : memref<8x2048xf32, #tpu.memory_space<vmem>>[vector<16xi32>, vector<16xi32>], vector<16xf32>,
        %parallel_loop3A_178 = arith.constant 7 : i32
        %parallel_loop3A_179 = vector.broadcast %parallel_loop3A_178 : i32 to vector<16xi32>
        %parallel_loop3A_180 = tpu.vector_load_idx %arg9[%parallel_loop3A_179, %parallel_loop3A_156] : memref<8x2048xf32, #tpu.memory_space<vmem>>[vector<16xi32>, vector<16xi32>], vector<16xf32>,
        %parallel_loop3A_181 = arith.constant 0 : i32
        %parallel_loop3A_182 = arith.index_cast %parallel_loop3A_181 : i32 to index
        %parallel_loop3A_183 = arith.index_cast %parallel_loop3A_154 : i32 to index
        %parallel_loop3A_184 = tpu.vector_load %arg11[%parallel_loop3A_182, %parallel_loop3A_183] {strides = array<i32>} : memref<8x2048xf32, #tpu.memory_space<vmem>>, vector<16xf32>,
        tpu.vector_store %arg11[%parallel_loop3A_182, %parallel_loop3A_183], %parallel_loop3A_159 {strides = array<i32>} : memref<8x2048xf32, #tpu.memory_space<vmem>>, vector<16xf32>,
        %parallel_loop3A_185 = arith.constant 1 : i32
        %parallel_loop3A_186 = arith.index_cast %parallel_loop3A_185 : i32 to index
        %parallel_loop3A_187 = arith.index_cast %parallel_loop3A_154 : i32 to index
        %parallel_loop3A_188 = tpu.vector_load %arg11[%parallel_loop3A_186, %parallel_loop3A_187] {strides = array<i32>} : memref<8x2048xf32, #tpu.memory_space<vmem>>, vector<16xf32>,
        tpu.vector_store %arg11[%parallel_loop3A_186, %parallel_loop3A_187], %parallel_loop3A_162 {strides = array<i32>} : memref<8x2048xf32, #tpu.memory_space<vmem>>, vector<16xf32>,
        %parallel_loop3A_189 = arith.constant 2 : i32
        %parallel_loop3A_190 = arith.index_cast %parallel_loop3A_189 : i32 to index
        %parallel_loop3A_191 = arith.index_cast %parallel_loop3A_154 : i32 to index
        %parallel_loop3A_192 = tpu.vector_load %arg11[%parallel_loop3A_190, %parallel_loop3A_191] {strides = array<i32>} : memref<8x2048xf32, #tpu.memory_space<vmem>>, vector<16xf32>,
        tpu.vector_store %arg11[%parallel_loop3A_190, %parallel_loop3A_191], %parallel_loop3A_165 {strides = array<i32>} : memref<8x2048xf32, #tpu.memory_space<vmem>>, vector<16xf32>,
        %parallel_loop3A_193 = arith.constant 3 : i32
        %parallel_loop3A_194 = arith.index_cast %parallel_loop3A_193 : i32 to index
        %parallel_loop3A_195 = arith.index_cast %parallel_loop3A_154 : i32 to index
        %parallel_loop3A_196 = tpu.vector_load %arg11[%parallel_loop3A_194, %parallel_loop3A_195] {strides = array<i32>} : memref<8x2048xf32, #tpu.memory_space<vmem>>, vector<16xf32>,
        tpu.vector_store %arg11[%parallel_loop3A_194, %parallel_loop3A_195], %parallel_loop3A_168 {strides = array<i32>} : memref<8x2048xf32, #tpu.memory_space<vmem>>, vector<16xf32>,
        %parallel_loop3A_197 = arith.constant 4 : i32
        %parallel_loop3A_198 = arith.index_cast %parallel_loop3A_197 : i32 to index
        %parallel_loop3A_199 = arith.index_cast %parallel_loop3A_154 : i32 to index
        %parallel_loop3A_200 = tpu.vector_load %arg11[%parallel_loop3A_198, %parallel_loop3A_199] {strides = array<i32>} : memref<8x2048xf32, #tpu.memory_space<vmem>>, vector<16xf32>,
        tpu.vector_store %arg11[%parallel_loop3A_198, %parallel_loop3A_199], %parallel_loop3A_171 {strides = array<i32>} : memref<8x2048xf32, #tpu.memory_space<vmem>>, vector<16xf32>,
        %parallel_loop3A_201 = arith.constant 5 : i32
        %parallel_loop3A_202 = arith.index_cast %parallel_loop3A_201 : i32 to index
        %parallel_loop3A_203 = arith.index_cast %parallel_loop3A_154 : i32 to index
        %parallel_loop3A_204 = tpu.vector_load %arg11[%parallel_loop3A_202, %parallel_loop3A_203] {strides = array<i32>} : memref<8x2048xf32, #tpu.memory_space<vmem>>, vector<16xf32>,
        tpu.vector_store %arg11[%parallel_loop3A_202, %parallel_loop3A_203], %parallel_loop3A_174 {strides = array<i32>} : memref<8x2048xf32, #tpu.memory_space<vmem>>, vector<16xf32>,
        %parallel_loop3A_205 = arith.constant 6 : i32
        %parallel_loop3A_206 = arith.index_cast %parallel_loop3A_205 : i32 to index
        %parallel_loop3A_207 = arith.index_cast %parallel_loop3A_154 : i32 to index
        %parallel_loop3A_208 = tpu.vector_load %arg11[%parallel_loop3A_206, %parallel_loop3A_207] {strides = array<i32>} : memref<8x2048xf32, #tpu.memory_space<vmem>>, vector<16xf32>,
        tpu.vector_store %arg11[%parallel_loop3A_206, %parallel_loop3A_207], %parallel_loop3A_177 {strides = array<i32>} : memref<8x2048xf32, #tpu.memory_space<vmem>>, vector<16xf32>,
        %parallel_loop3A_209 = arith.constant 7 : i32
        %parallel_loop3A_210 = arith.index_cast %parallel_loop3A_209 : i32 to index
        %parallel_loop3A_211 = arith.index_cast %parallel_loop3A_154 : i32 to index
        %parallel_loop3A_212 = tpu.vector_load %arg11[%parallel_loop3A_210, %parallel_loop3A_211] {strides = array<i32>} : memref<8x2048xf32, #tpu.memory_space<vmem>>, vector<16xf32>,
        tpu.vector_store %arg11[%parallel_loop3A_210, %parallel_loop3A_211], %parallel_loop3A_180 {strides = array<i32>} : memref<8x2048xf32, #tpu.memory_space<vmem>>, vector<16xf32>,
      } {sc.loop_unroll_factor = 4 : i64, sc.parallel_access}
      %mul3A_144 = arith.constant 8 : i32
      %mul3A_145 = arith.muli %add3A_121, %mul3A_144 : i32
      %add3A_146 = arith.addi %mul3A_2, %mul3A_145 : i32
      %dma_start3A_147 = arith.constant 0 : i32
      %dma_start3A_148 = tpu.memref_slice %arg4[%add3A_146, %dma_start3A_147] : memref<16384x2048xf32, #tpu.memory_space<hbm>> -> memref<8x2048xf32, #tpu.memory_space<hbm>>
      %dma_start3A_149 = arith.constant 0 : i32
      %dma_start3A_150 = tpu.memref_slice %arg4[%add3A_146, %dma_start3A_149] : memref<16384x2048xf32, #tpu.memory_space<hbm>> -> memref<8x2048xf32, #tpu.memory_space<hbm>>
      tpu.enqueue_dma source(%arg11 : memref<8x2048xf32, #tpu.memory_space<vmem>>) target(%dma_start3A_150 : memref<8x2048xf32, #tpu.memory_space<hbm>>) target_semaphore(%arg17 : memref<!tpu.dma_semaphore, #tpu.memory_space<semaphore_mem>>)
    }
    %scan3A_17 = arith.constant 11 : i32
    %add3A_18 = arith.constant 336 : i32
    %add3A_19 = arith.addi %mul3A_2, %add3A_18 : i32
    %dma_wait3A = arith.constant 0 : i32
    %dma_wait3A_20 = tpu.memref_slice %arg4[%add3A_19, %dma_wait3A] : memref<16384x2048xf32, #tpu.memory_space<hbm>> -> memref<8x2048xf32, #tpu.memory_space<hbm>>
    %dma_wait3A_21 = arith.constant 0 : i32
    %dma_wait3A_22 = tpu.memref_slice %arg4[%add3A_19, %dma_wait3A_21] : memref<16384x2048xf32, #tpu.memory_space<hbm>> -> memref<8x2048xf32, #tpu.memory_space<hbm>>
    tpu.wait_dma2 semaphore(%arg16 : memref<!tpu.dma_semaphore, #tpu.memory_space<semaphore_mem>>) src(%arg10 : memref<8x2048xf32, #tpu.memory_space<vmem>>) dst(%dma_wait3A_22 : memref<8x2048xf32, #tpu.memory_space<hbm>>)
    %add3A_23 = arith.constant 344 : i32
    %add3A_24 = arith.addi %mul3A_2, %add3A_23 : i32
    %dma_wait3A_25 = arith.constant 0 : i32
    %dma_wait3A_26 = tpu.memref_slice %arg4[%add3A_24, %dma_wait3A_25] : memref<16384x2048xf32, #tpu.memory_space<hbm>> -> memref<8x2048xf32, #tpu.memory_space<hbm>>
    %dma_wait3A_27 = arith.constant 0 : i32
    %dma_wait3A_28 = tpu.memref_slice %arg4[%add3A_24, %dma_wait3A_27] : memref<16384x2048xf32, #tpu.memory_space<hbm>> -> memref<8x2048xf32, #tpu.memory_space<hbm>>
    tpu.wait_dma2 semaphore(%arg17 : memref<!tpu.dma_semaphore, #tpu.memory_space<semaphore_mem>>) src(%arg11 : memref<8x2048xf32, #tpu.memory_space<vmem>>) dst(%dma_wait3A_28 : memref<8x2048xf32, #tpu.memory_space<hbm>>)
    return
  }
}

module attributes {stable_mosaic.version = 14 : i64} {
  func.func @_tc_body(%arg0: i32, %arg1: memref<2048xi32, #tpu.memory_space<vmem>>, %arg2: memref<512x2048xf32, #tpu.memory_space<vmem>>, %arg3: memref<512x2048xf32, #tpu.memory_space<vmem>>, %arg4: memref<2048x2048xbf16, #tpu.memory_space<vmem>>) attributes {dimension_semantics = [#tpu.dimension_semantics<arbitrary>], iteration_bounds = array<i64: 10>, scalar_prefetch = 0 : i64, scratch_operands = 1 : i64, tpu.core_type = #tpu.core_type<tc>, window_params = [{pipeline_mode = #tpu.pipeline_mode<synchronous>, transform_indices = @transform_0, window_bounds = array<i64: 2048>}, {transform_indices = @transform_1, window_bounds = array<i64: 512, 2048>}, {transform_indices = @transform_2, window_bounds = array<i64: 512, 2048>}]} {
    %eq3A = arith.constant 0 : i32
    %eq3A_0 = arith.cmpi eq, %arg0, %eq3A : i32
    %convert_element_type3A = arith.extui %eq3A_0 : i1 to i32
    %cond3A = arith.constant 0 : i32
    %cond3A_1 = arith.cmpi ne, %convert_element_type3A, %cond3A : i32
    scf.if %cond3A_1 {
      %iota3A = tpu.iota {dimensions = array<i32: 0>} : vector<2048x2048xi32>
      %get3A_15 = arith.constant 0 : index
      %get3A_16 = vector.load %arg1[%get3A_15] : memref<2048xi32, #tpu.memory_space<vmem>>, vector<2048xi32>
      %broadcast_in_dim3A = vector.shape_cast %get3A_16 : vector<2048xi32> to vector<1x2048xi32>
      %eq3A_17 = vector.broadcast %broadcast_in_dim3A : vector<1x2048xi32> to vector<2048x2048xi32>
      %eq3A_18 = arith.cmpi eq, %iota3A, %eq3A_17 : vector<2048x2048xi32>
      %convert_element_type3A_19 = arith.extui %eq3A_18 : vector<2048x2048xi1> to vector<2048x2048xi32>
      %convert_element_type3A_20 = arith.sitofp %convert_element_type3A_19 : vector<2048x2048xi32> to vector<2048x2048xf32>
      %convert_element_type3A_21 = arith.truncf %convert_element_type3A_20 : vector<2048x2048xf32> to vector<2048x2048xbf16>
      %swap3A_22 = arith.constant 0 : index
      %swap3A_23 = arith.constant 0 : index
      %swap3A_24 = vector.load %arg4[%swap3A_22, %swap3A_23] : memref<2048x2048xbf16, #tpu.memory_space<vmem>>, vector<2048x2048xbf16>
      tpu.vector_store %arg4[%swap3A_22, %swap3A_23], %convert_element_type3A_21 {strides = array<i32>} : memref<2048x2048xbf16, #tpu.memory_space<vmem>>, vector<2048x2048xbf16>,
    } else {
    }
    %get3A = arith.constant 0 : index
    %get3A_2 = arith.constant 0 : index
    %get3A_3 = vector.load %arg2[%get3A, %get3A_2] : memref<512x2048xf32, #tpu.memory_space<vmem>>, vector<512x2048xf32>
    %convert_element_type3A_4 = arith.truncf %get3A_3 : vector<512x2048xf32> to vector<512x2048xbf16>
    %convert_element_type3A_5 = arith.extf %convert_element_type3A_4 : vector<512x2048xbf16> to vector<512x2048xf32>
    %sub3A = arith.subf %get3A_3, %convert_element_type3A_5 : vector<512x2048xf32>
    %convert_element_type3A_6 = arith.truncf %sub3A : vector<512x2048xf32> to vector<512x2048xbf16>
    %get3A_7 = arith.constant 0 : index
    %get3A_8 = arith.constant 0 : index
    %get3A_9 = vector.load %arg4[%get3A_7, %get3A_8] : memref<2048x2048xbf16, #tpu.memory_space<vmem>>, vector<2048x2048xbf16>
    %dot_general3A = arith.constant dense<0.000000e+00> : vector<512x2048xf32>
    %dot_general3A_10 = tpu.matmul %convert_element_type3A_4, %get3A_9, %dot_general3A {dimension_numbers = #tpu.dot_dimension_numbers<[1], [0], [0], [1], [0, 0, 1, 1], [], []>, transpose_lhs_hint = false} : vector<512x2048xbf16>, vector<2048x2048xbf16>, vector<512x2048xf32> -> vector<512x2048xf32>
    %dot_general3A_11 = arith.constant dense<0.000000e+00> : vector<512x2048xf32>
    %dot_general3A_12 = tpu.matmul %convert_element_type3A_6, %get3A_9, %dot_general3A_11 {dimension_numbers = #tpu.dot_dimension_numbers<[1], [0], [0], [1], [0, 0, 1, 1], [], []>, transpose_lhs_hint = false} : vector<512x2048xbf16>, vector<2048x2048xbf16>, vector<512x2048xf32> -> vector<512x2048xf32>
    %add3A = arith.addf %dot_general3A_10, %dot_general3A_12 : vector<512x2048xf32>
    %swap3A = arith.constant 0 : index
    %swap3A_13 = arith.constant 0 : index
    %swap3A_14 = vector.load %arg3[%swap3A, %swap3A_13] : memref<512x2048xf32, #tpu.memory_space<vmem>>, vector<512x2048xf32>
    tpu.vector_store %arg3[%swap3A, %swap3A_13], %add3A {strides = array<i32>} : memref<512x2048xf32, #tpu.memory_space<vmem>>, vector<512x2048xf32>,
    return
  }
  func.func @transform_0(%arg0: i32) -> i32 {
    %c0_i32 = arith.constant 0 : i32
    %c0_i32_0 = arith.constant 0 : i32
    return %c0_i32 : i32
  }
  func.func @transform_1(%arg0: i32) -> (i32, i32) {
    %add3A = arith.constant 22 : i32
    %add3A_0 = arith.addi %add3A, %arg0 : i32
    %c0_i32 = arith.constant 0 : i32
    %c0_i32_1 = arith.constant 0 : i32
    return %add3A_0, %c0_i32 : i32, i32
  }
  func.func @transform_2(%arg0: i32) -> (i32, i32) {
    %c0_i32 = arith.constant 0 : i32
    %c0_i32_0 = arith.constant 0 : i32
    return %arg0, %c0_i32 : i32, i32
  }
}

</mosaic_0001>

<sc_bundles>
// kernel: kernel.4.cloned.1.call-start
scs
__scs_entry_jumppad:
0x0: {  	(pc) =	sbr.rel $0x88, $3  }
0x1: {  	(tag) =	ssettag $0x0;
	lr =	simm.s32 $0x1  }
0x2: {  	[smem:$0x3F9F] =	sst lr;
	_ =	strace $0xD0000000  }
0x3: {  	_ = 	snop  }
0x4: {  	_ = 	snop  }
0x5: {  	_ = 	snop  }
0x6: {  	_ = 	snop  }
0x7: {  	_ = 	snop  }
__scs_overlays_trampoline_lowered:
0x8: {  	[smem:$0x3FAE] =	sst s0  }
0x9: {  	[smem:$0x3FAF] =	sst s1  }
0xa: {  	[smem:$0x3FB0] =	sst s2  }
0xb: {  	[smem:$0x3FB1] =	sst s3  }
0xc: {  	[smem:$0x3FB2] =	sst s4  }
0xd: {  	[smem:$0x3FB3] =	sst s5  }
0xe: {  	[smem:$0x3FB4] =	sst s6  }
0xf: {  	[smem:$0x3FB5] =	sst s7  }
0x10: {  	[smem:$0x3FB6] =	sst s8  }
0x11: {  	[smem:$0x3FB7] =	sst s9;
	s0 =	simm.s32 @!p0 $0x0  }
0x12: {  	s1 =	sld [smem:$0x3F9D];
	s0 =	simm.s32 @p0 $0x1  }
0x13: {  	[smem:$0x3FB8] =	sst s0;
	s0 =	simm.s32 @!p1 $0x0  }
0x14: {  	s2 =	sld [smem:$0x3F9C];
	s0 =	simm.s32 @p1 $0x1  }
0x15: {  	[smem:$0x3FB9] =	sst s0;
	s0 =	simm.s32 @!p2 $0x0  }
0x16: {  	s3 =	sld [smem:$0x3FDB];
	s0 =	simm.s32 @p2 $0x1  }
0x17: {  	s4 =	simm.s32 $0x1BF5;
	[smem:$0x3FBB] =	sst s0  }
0x18: {  	s0 =	sld [smem:$0x3F9E];
	_ =	swait.ge [sflag:s4], $0x0  }
0x19: {  	s7 =	sld [smem:$0x3F9F]  }
0x1a: {  	s8 =	sadd.s32 $0xFFFFE003, lr  }
0x1b: {  	s9 =	sadd.s32 $0xFFFFFEF7, lr;
	s5 =	simm.s32 $0xFFFFFFFF;
	p2 =	slt.u32 s8, $0xFFFFF086  }
0x1c: {  	p1 =	slt.u32 s9, $0xF7A;
	s5 =	simm.s32 @!p2 $0x0  }
0x1d: {  	s5 =	simm.s32 @p1 $0x1;
	p0 =	seq.s32 s7, s2  }
0x1e: {  	s7 =	smul.u32 @!p0 $0xF7A, s2;
	p2 =	seq.s32 @!p0 s5, $0x0  }
0x1f: {  	s9 =	smul.u32 $0xF7A, s1;
	s8 =	simm.s32 @!p0 $0x1BF5;
	p2 =	por !p2, p0  }
0x20: {  	[sflag:s8] =	ssyncset.s32 @!p0 $0xFFFFF086;
	s6 =	sadd.s32 @!p0 s3, s7;
	s7 =	simm.s32 @!p0 $0x108  }
0x21: {  	s3 =	sadd.s32 s3, s9;
	s6 =	sadd.s32 @!p0 $0x88, s6;
	s7 =	simm.s32 @p2 $0x1082  }
0x22: {  	[simem:s7], [sflag:s8] =	dma.local @!p0 [hbm:s6], $0xF7A  }
0x23: {  	s9 =	sor.u32 $0xD0000000, s2;
	s6 =	simm.s32 $0x108;
	_ =	swait.ge @!p0 [sflag:s8], $0x0  }
0x24: {  	s3 =	sadd.s32 $0x88, s3;
	s6 =	simm.s32 @!p1 $0x1082;
	[sflag:s4] =	ssyncset.s32 $0xFFFFF086  }
0x25: {  	[simem:s6], [sflag:s4] =	dma.local [hbm:s3], $0xF7A  }
0x26: {  	[smem:$0x3F9F] =	sst s1;
	(tag) =	ssettag s2;
	_ =	strace s9  }
0x27: {  	s1 =	sld [smem:$0x3FAF]  }
0x28: {  	s2 =	sld [smem:$0x3FB0]  }
0x29: {  	s4 =	sld [smem:$0x3FB2]  }
0x2a: {  	p0 =	seq.s32 s5, $0x0;
	s5 =	sld [smem:$0x3FB3]  }
0x2b: {  	s6 =	sld [smem:$0x3FB4]  }
0x2c: {  	s7 =	sld [smem:$0x3FB5]  }
0x2d: {  	s3 =	simm.s32 $0x108;
	s8 =	sld [smem:$0x3FB6]  }
0x2e: {  	s3 =	simm.s32 @!p0 $0x1082;
	s9 =	sld [smem:$0x3FB7]  }
0x2f: {  	lr =	sadd.s32 s0, s3;
	s0 =	sld [smem:$0x3FAE]  }
0x30: {  	s3 =	sld [smem:$0x3FB1]  }
0x31: {  	[smem:$0x3FBA] =	sst s10  }
0x32: {  	s10 =	sld [smem:$0x3FB8];
	_ =	sdelay $0x3  }
0x33: {  	p0 =	seq.s32 s10, $0x1;
	s10 =	sld [smem:$0x3FBA];
	_ =	sdelay $0x3  }
0x34: {  	[smem:$0x3FBA] =	sst s10  }
0x35: {  	s10 =	sld [smem:$0x3FB9];
	_ =	sdelay $0x3  }
0x36: {  	p1 =	seq.s32 s10, $0x1;
	s10 =	sld [smem:$0x3FBA];
	_ =	sdelay $0x3  }
0x37: {  	[smem:$0x3FBA] =	sst s10  }
0x38: {  	s10 =	sld [smem:$0x3FBB]  }
0x39: {  	_ = 	snop;
	(pc) =	sbr.ind lr, $3  }
0x3a: {  	_ = 	snop  }
0x3b: {  	_ = 	snop  }
0x3c: {  	p2 =	seq.s32 s10, $0x1;
	s10 =	sld [smem:$0x3FBA]  }
0x3d: {  	_ =	shalt  }
0x3e: {  	_ =	shalt  }
0x3f: {  	_ =	shalt  }
0x40: {  	_ =	shalt  }
0x41: {  	_ =	shalt  }
0x42: {  	_ =	shalt  }
0x43: {  	_ =	shalt  }
0x44: {  	_ =	shalt  }
0x45: {  	_ =	shalt  }
0x46: {  	_ =	shalt  }
0x47: {  	_ =	shalt  }
0x48: {  	_ =	shalt  }
0x49: {  	_ =	shalt  }
0x4a: {  	_ =	shalt  }
0x4b: {  	_ =	shalt  }
0x4c: {  	_ =	shalt  }
0x4d: {  	_ =	shalt  }
0x4e: {  	_ =	shalt  }
0x4f: {  	_ =	shalt  }
0x50: {  	_ =	shalt  }
0x51: {  	_ =	shalt  }
0x52: {  	_ =	shalt  }
0x53: {  	_ =	shalt  }
0x54: {  	_ =	shalt  }
0x55: {  	_ =	shalt  }
0x56: {  	_ =	shalt  }
0x57: {  	_ =	shalt  }
0x58: {  	_ =	shalt  }
0x59: {  	_ =	shalt  }
0x5a: {  	_ =	shalt  }
0x5b: {  	_ =	shalt  }
0x5c: {  	_ =	shalt  }
0x5d: {  	_ =	shalt  }
0x5e: {  	_ =	shalt  }
0x5f: {  	_ =	shalt  }
0x60: {  	_ =	shalt  }
0x61: {  	_ =	shalt  }
0x62: {  	_ =	shalt  }
0x63: {  	_ =	shalt  }
0x64: {  	_ =	shalt  }
0x65: {  	_ =	shalt  }
0x66: {  	_ =	shalt  }
0x67: {  	_ =	shalt  }
0x68: {  	_ =	shalt  }
0x69: {  	_ =	shalt  }
0x6a: {  	_ =	shalt  }
0x6b: {  	_ =	shalt  }
0x6c: {  	_ =	shalt  }
0x6d: {  	_ =	shalt  }
0x6e: {  	_ =	shalt  }
0x6f: {  	_ =	shalt  }
0x70: {  	_ =	shalt  }
0x71: {  	_ =	shalt  }
0x72: {  	_ =	shalt  }
0x73: {  	_ =	shalt  }
0x74: {  	_ =	shalt  }
0x75: {  	_ =	shalt  }
0x76: {  	_ =	shalt  }
0x77: {  	_ =	shalt  }
0x78: {  	_ =	shalt  }
0x79: {  	_ =	shalt  }
0x7a: {  	_ =	shalt  }
0x7b: {  	_ =	shalt  }
0x7c: {  	_ =	shalt  }
0x7d: {  	_ =	shalt  }
0x7e: {  	_ =	shalt  }
0x7f: {  	_ =	shalt  }
0x80: {  	_ =	shalt  }
0x81: {  	_ =	shalt  }
0x82: {  	_ =	shalt  }
0x83: {  	_ =	shalt  }
0x84: {  	_ =	shalt  }
0x85: {  	_ =	shalt  }
0x86: {  	_ =	shalt  }
0x87: {  	_ =	shalt  }
.Lfunc_end0:
.L_simem_size_0:
called_computation_lowered:
.L_overlay_start_0:
0x88: {  	s2 =	sld [smem:$0x3FD9]  }
0x89: {  	s3 =	sld [smem:$0x3FFE];
	_ =	sdelay $0x1  }
0x8a: {  	s1 =	srdreg.scid  }
0x8b: {  	s0 =	sand.u32 $0x1, s1  }
0x8c: {  	s15 =	sshll.u32 s0, $0xA;
	s2 =	sadd.s32 s3, s2  }
0x8d: {  	s2 =	sadd.s32 s2, s15  }
0x8e: {  	[smem:$0x3FC6] =	sst s2  }
0x8f: {  	_ = 	snop  }
0x90: {  	s2 =	sld [smem:$0x3FD0];
	_ =	sdelay $0x1  }
0x91: {  	s16 =	sld [smem:$0x3FC9]  }
0x92: {  	s5 =	simm.s32 $0xA;
	s6 =	simm.s32 $0x10;
	s4 =	sld [smem:$0x3FC8]  }
0x93: {  	[smem:s6], [sflag:s5] =	dma.local [hbm:s2], $0x1  }
0x94: {  	_ =	swait.eq [sflag:s5], $0x1  }
0x95: {  	[sflag:s5] =	ssyncset.done $0x0  }
0x96: {  	[sflag:s5] =	ssyncadd.s32 $0xFFFFFFFF  }
0x97: {  	s17 =	sld [smem:$0x10];
	(tm) =	ssettm $0x1  }
0x98: {  	s18 =	sld [smem:$0x3FFB];
	_ =	sdelay $0x3  }
0x99: {  	_ =	strace s18  }
0x9a: {  	s5 =	sld [smem:$0x3FFC];
	_ =	sdelay $0x3  }
0x9b: {  	_ =	strace s5  }
0x9c: {  	s5 =	sld [smem:$0x3FFD];
	_ =	sdelay $0x3  }
0x9d: {  	_ =	strace s5  }
0x9e: {  	_ =	strace $0x8FFFFFFF  }
0x9f: {  	s19 =	sld [smem:$0x3FDB];
	_ =	sdelay $0x1  }
0xa0: {  	s20 =	simm.s32 $_scs_section_size  }
0xa1: {  	s7 =	simm.s32 $_size__tile_overlayer_lowered;
	s8 =	simm.s32 $_tile_overlayer_lowered  }
0xa2: {  	s23 =	simm.s32 $0x1BFF;
	s22 =	sshll.u32 s8, $0x1;
	s5 =	sadd.s32 s20, s19  }
0xa3: {  	s9 =	simm.s32 $0x0;
	s21 =	sshll.u32 s7, $0x1;
	s7 =	sadd.s32 s22, s5  }
0xa4: {  	[timem:s9], [sflag:s23] =	dma.local [hbm:s7], s21  }
0xa5: {  	_ =	swait.ge [sflag:s23], s21  }
0xa6: {  	s6 =	ssub.s32 $0x0, s21;
	[sflag:s23] =	ssyncset.done $0x0  }
0xa7: {  	[sflag:s23] =	ssyncadd.s32 s6;
	_ =	sdelay $0x1  }
0xa8: {  	s24 =	simm.s32 $0x1B8B  }
0xa9: {  	_ =	swait.ge [sflag:s24], $0x1  }
0xaa: {  	[sflag:s24] =	ssyncset.done $0x0  }
0xab: {  	s25 =	simm.s32 $0x1B8E;
	[sflag:s24] =	ssyncadd.s32 $0xFFFFFFFF  }
0xac: {  	s26 =	simm.s32 $execute0_lowered;
	[smem:$0x3FD2] =	sst s25  }
0xad: {  	s6 =	sshll.u32 s26, $0x1;
	_ =	strace $0x80000046;
	[dreg:$0x1] =	wrdreg $0xFFFFFFFF  }
0xae: {  	s28 =	simm.s32 $_size_execute0_lowered;
	s5 =	sadd.s32 s5, s6;
	[dreg:$0x0] =	wrdreg $0x0  }
0xaf: {  	s6 =	sshll.u32 s28, $0x1;
	[dreg:$0x2] =	wrdreg s5  }
0xb0: {  	[dreg:$0x3] =	wrdreg s6  }
0xb1: {  	[dreg:$0x4] =	wrdreg $0xC0  }
0xb2: {  	_ =	task [dreg:s9], $0x5FFFF  }
0xb3: {  	[dreg:$0x1] =	wrdreg $0xFFFFFFFF  }
0xb4: {  	[dreg:$0x0] =	wrdreg $0x60  }
0xb5: {  	[dreg:$0x2] =	wrdreg s16  }
0xb6: {  	[dreg:$0x3] =	wrdreg s4  }
0xb7: {  	[dreg:$0x4] =	wrdreg s17  }
0xb8: {  	[dreg:$0x5] =	wrdreg $0x9  }
0xb9: {  	_ =	task.clear_ibuf [dreg:s9], $0x6FFFF;
	_ =	strace $0x90000046  }
0xba: {  	s29 =	simm.s32 $0x9;
	_ =	strace $0x80000048  }
0xbb: {  	_ =	swait.ge [sflag:s29], $0x1  }
0xbc: {  	[sflag:s29] =	ssyncadd.s32 $0xFFFFFFFF  }
0xbd: {  	_ =	strace $0x90000048  }
0xbe: {  	_ =	sfence  }
0xbf: {  	s30 =	sld [smem:$0x0];
	_ =	sdelay $0x2  }
0xc0: {  	s31 =	sshll.u32 s1, $0xD;
	s1 =	sshrl.u32 s1, $0x2  }
0xc1: {  	s3 =	sand.u32 $0x4000, s31;
	s1 =	sadd.s32 s1, s30  }
0xc2: {  	s0 =	sor.u32 s3, s0;
	s1 =	sshll.u32 s1, $0x11  }
0xc3: {  	s0 =	sor.u32 s1, s0  }
0xc4: {  	s0 =	sadd.s32 $0x8F2B, s0  }
0xc5: {  	[sflag:s0] =	ssyncadd.remote.s32 $0x1  }
0xc6: {  	_ =	sfence.sel $0xFFFF  }
0xc7: {  	[dreg:$0x0] =	wrdreg $0xFFFFFFFF;
	(pc) =	sbr.abs _section_cstart, $3  }
0xc8: {  	[dreg:$0x1] =	wrdreg $0xFFFFFFFF  }
0xc9: {  	_ =	task.clear_ibuf [dreg:s9], $0x2FFFF;
	_ =	strace $0x9FFFFFFF  }
0xca: {  	(tm) =	ssettm $0x7FFFFFFF  }
0xcb: {  	_ =	shalt  }
tec
execute0_lowered:
.L_overlay_start_1:
0x0: {  	(tag) =	ssettag $0x1  }
0x1: {  	s0 =	srdreg.scid;
	s2 =	stileid.u32  }
0x2: {  	s0 =	sand.u32 $0x1, s0;
	s2 =	sshll.u32 s2, $0x1  }
0x3: {  	s2 =	sor.u32 s0, s2  }
0x4: {  	s1 =	rddreg [dreg:$0x0];
	s3 =	smul.u32 $0x16000, s2  }
0x5: {  	s4 =	rddreg [dreg:$0x2];
	s5 =	simm.s32 $0x0;
	s6 =	smul.u32 $0x2C, s2  }
0x6: {  	s16 =	simm.s32 $0x800;
	s17 =	simm.s32 $0x4800;
	s2 =	smul.u32 $0xB0000, s2  }
0x7: {  	s18 =	simm.s32 $0x8800;
	s21 =	simm.s32 $0xC800;
	[smem:$0x7FF] =	sst s5  }
0x8: {  	_ =	strace $0x80000047;
	s8 =	sadd.s32 s1, s3;
	[dreg:$0xa] =	wrdreg s2  }
0x9: {  	s28 =	simm.s32 $0x6;
	s26 =	sor.u32 $0x2, s6;
	[dreg:$0x4] =	wrdreg s8  }
0xa: {  	s0 =	ssub.s32 $0x2, s0;
	s29 =	sor.u32 $0x3, s6;
	[dreg:$0x6] =	wrdreg s26  }
0xb: {  	s7 =	sshrl.u32 s0, $0x1;
	s30 =	sadd.s32 $0x4, s6;
	[dreg:$0x7] =	wrdreg s29  }
0xc: {  	s0 =	ssub.s32 s0, s7;
	s6 =	sadd.s32 $0x5, s6;
	[dreg:$0x8] =	wrdreg s30  }
0xd: {  	s24 =	smov.u32 s4;
	s0 =	smax.u32 s0, $0x1;
	[dreg:$0x9] =	wrdreg s6  }
0xe: {  	s31 =	sadd.s32 s3, s4;
	s25 =	sadd.s32 $0x800, s8;
	[dreg:$0xb] =	wrdreg s0  }
0xf: {  	s2 =	simm.s32 $0x0;
	s0 =	sadd.s32 $0x800, s31;
	[dreg:$0x5] =	wrdreg s25  }
0x10: {  	s26 =	simm.s32 $0x4;
	[dreg:$0xc] =	wrdreg s0;
	s25 =	simm.s32 $0x5  }
.LBB2_1:
0x11: {  	[dreg:$0xd] =	wrdreg s2  }
0x12: {  	s0 =	rddreg [dreg:$0x1];
	s23 =	simm.s32 $0x7  }
0x13: {  	[tilespmem:s5], [sflag:$0x7] =	stream.linear.gather [hbm4b:s0+s5], $0x800, $0x38;
	[tilespmem:$0x18800] =	vst v63  }
0x14: {  	_ =	swait.ge [sflag:s23], $0x800  }
0x15: {  	[sflag:s23] =	ssyncset.done $0x0  }
0x16: {  	s29 =	rddreg [dreg:$0x4];
	[sflag:s23] =	ssyncadd.s32 $0xFFFFF800  }
0x17: {  	[tilespmem:s16], [sflag:$0x1] =	stream.linear.gather [hbm4b:s29+s5], $0x4000, $0x38;
	[tilespmem:$0x18800] =	vst v63  }
0x18: {  	s30 =	simm.s32 $0x0;
	s31 =	rddreg [dreg:$0x5]  }
0x19: {  	[tilespmem:s17], [sflag:$0x2] =	stream.linear.gather [hbm4b:s31+s5], $0x4000, $0x38;
	[tilespmem:$0x18800] =	vst v63  }
.LBB2_2:
0x1a: {  	s31 =	sshll.u32 s30, $0x2;
	s0 =	rddreg [dreg:$0x6]  }
0x1b: {  	s0 =	sadd.s32 s0, s31  }
0x1c: {  	s0 =	sshll.u32 s0, $0xB  }
0x1d: {  	s2 =	sand.u32 $0x1FFFF000, s0  }
0x1e: {  	s19 =	simm.s32 $0x1;
	s0 =	sadd.s32 s1, s2  }
0x1f: {  	[tilespmem:s18], [sflag:$0x3] =	stream.linear.gather [hbm4b:s0+s5], $0x4000, $0x38;
	[tilespmem:$0x18800] =	vst v63  }
0x20: {  	_ =	swait.ge [sflag:s19], $0x4000  }
0x21: {  	p0 =	seq.s32 s30, $0x0;
	[sflag:s19] =	ssyncset.done $0x0  }
0x22: {  	s3 =	simm.s32 @!p0 $0x5;
	s0 =	simm.s32 $0x0;
	[sflag:s19] =	ssyncadd.s32 $0xFFFFC000  }
0x23: {  	s13 =	sand.u32 $0x40, s0;
	_ =	swait.ge @!p0 [sflag:s3], $0x4000  }
0x24: {  	s8 =	sand.u32 $0x780, s0;
	s7 =	sor.u32 $0x10, s13;
	[sflag:s3] =	ssyncset.done @!p0 $0x0  }
0x25: {  	s20 =	sor.u32 s7, s8;
	[sflag:s3] =	ssyncadd.s32 @!p0 $0xFFFFC000  }
0x26: {  	v0 =	vld [tilespmem:s20+$0x0];
	_ =	sdelay $0x1  }
0x27: {  	s6 =	sor.u32 $0x30, s13  }
0x28: {  	s22 =	sor.u32 s6, s8  }
0x29: {  	v1 =	vld [tilespmem:s22+$0x0]  }
0x2a: {  	v2 =	vshll.u32 v0, $0x3  }
0x2b: {  	v0 =	vand.u32 $0x7F, v0;
	v2 =	vand.u32 $0xFFFFFC00, v2  }
0x2c: {  	v17 =	vor.u32 v0, v2  }
0x2d: {  	s3 =	sor.u32 $0x20, s13;
	v2 =	vor.u32 $0x200, v17  }
0x2e: {  	s8 =	sor.u32 s3, s8;
	v0 =	vshll.u32 v1, $0x3;
	v3 =	vor.u32 $0x300, v17  }
0x2f: {  	v12 =	vld [tilespmem:s8+$0x0];
	v1 =	vand.u32 $0x7F, v1;
	v0 =	vand.u32 $0xFFFFFC00, v0;
	v6 =	vor.u32 $0x280, v17  }
0x30: {  	v7 =	vor.u32 $0x100, v17;
	v19 =	vor.u32 v1, v0;
	v1 =	vld [tilespmem:s0+$0x0]  }
0x31: {  	v22 =	vor.u32 $0x80, v17;
	v10 =	vld.idx.msk [tilespmem:v17+s16+$0x0], $0xffff  }
0x32: {  	v0 =	vor.u32 $0x80, v19;
	v4 =	vld.idx.msk [tilespmem:v2+s16+$0x0], $0xffff  }
0x33: {  	v5 =	vld.idx.msk [tilespmem:v3+s16+$0x0], $0xffff  }
0x34: {  	v18 =	vor.u32 $0x100, v19;
	v8 =	vld.idx.msk [tilespmem:v6+s16+$0x0], $0xffff  }
0x35: {  	v2 =	vor.u32 $0x380, v19;
	v16 =	vld.idx.msk [tilespmem:v7+s16+$0x0], $0xffff  }
0x36: {  	v9 =	vor.u32 $0x300, v19;
	v25 =	vld.idx.msk [tilespmem:v22+s16+$0x0], $0xffff  }
0x37: {  	v3 =	vor.u32 $0x280, v19;
	v14 =	vld.idx.msk [tilespmem:v0+s16+$0x0], $0xffff;
	v0 =	vshll.u32 v1, $0x3  }
0x38: {  	v6 =	vor.u32 $0x200, v19;
	v15 =	vld.idx.msk [tilespmem:v19+s16+$0x0], $0xffff;
	v1 =	vand.u32 $0x7F, v1;
	v11 =	vand.u32 $0xFFFFFC00, v0  }
0x39: {  	v13 =	vor.u32 $0x380, v17;
	v24 =	vld.idx.msk [tilespmem:v18+s16+$0x0], $0xffff;
	v23 =	vor.u32 v1, v11  }
0x3a: {  	v0 =	vld.idx.msk [tilespmem:v2+s16+$0x0], $0xffff;
	v1 =	vor.u32 $0x380, v23  }
0x3b: {  	v2 =	vld.idx.msk [tilespmem:v9+s16+$0x0], $0xffff;
	v9 =	vor.u32 $0x100, v23  }
0x3c: {  	v3 =	vld.idx.msk [tilespmem:v3+s16+$0x0], $0xffff;
	v20 =	vor.u32 $0x280, v23  }
0x3d: {  	v7 =	vor.u32 $0x200, v23;
	v11 =	vld.idx.msk [tilespmem:v6+s16+$0x0], $0xffff  }
0x3e: {  	v6 =	vld.idx.msk [tilespmem:v13+s16+$0x0], $0xffff;
	v21 =	vor.u32 $0x300, v23  }
0x3f: {  	v18 =	vor.u32 $0x180, v23;
	v1 =	vld.idx.msk [tilespmem:v1+s16+$0x0], $0xffff  }
0x40: {  	v26 =	vor.u32 $0x80, v23;
	v27 =	vld.idx.msk [tilespmem:v9+s16+$0x0], $0xffff  }
0x41: {  	v9 =	vld.idx.msk [tilespmem:v20+s16+$0x0], $0xffff;
	v20 =	vshll.u32 v12, $0x3  }
0x42: {  	v22 =	vor.u32 $0x180, v17;
	v13 =	vld.idx.msk [tilespmem:v7+s16+$0x0], $0xffff;
	v12 =	vand.u32 $0x7F, v12;
	v20 =	vand.u32 $0xFFFFFC00, v20  }
0x43: {  	p2 =	por $0x0, $0x0;
	s15 =	simm.s32 $0x0;
	s29 =	simm.s32 $0x40;
	v7 =	vld.idx.msk [tilespmem:v21+s16+$0x0], $0xffff;
	v12 =	vor.u32 v12, v20;
	v20 =	vor.u32 $0x180, v19  }
0x44: {  	s9 =	simm.s32 $0x40;
	p1 =	por p2, p2;
	s23 =	sand.u32 $0x3C00, s0;
	v18 =	vld.idx.msk [tilespmem:v18+s16+$0x0], $0xffff  }
0x45: {  	p2 =	por !p2, !p2;
	s10 =	sadd.s32 $0x10800, s23;
	s8 =	simm.s32 $0x200;
	v26 =	vld.idx.msk [tilespmem:v26+s16+$0x0], $0xffff  }
.LBB2_3:
0x46: {  	s15 =	sadd.s32 $0x4, s15;
	v19 =	vld.idx.msk [tilespmem:v23+s16+$0x0], $0xffff;
	s14 =	sor.u32 s13, s10;
	s13 =	sand.u32 $0x40, s9  }
0x47: {  	s23 =	sand.u32 $0x780, s9;
	v17 =	vor.u32 $0x380, v12;
	s11 =	sor.u32 $0x10, s13;
	s4 =	sor.u32 $0x30, s13;
	[tilespmem:s14+$0x100] =	vst v27;
	v22 =	vld.idx.msk [tilespmem:v22+s16+$0x0], $0xffff  }
0x48: {  	v21 =	vor.u32 $0x300, v12;
	s20 =	sor.u32 s6, s10;
	s12 =	sor.u32 $0x20, s13;
	s19 =	sor.u32 s11, s23;
	v20 =	vld.idx.msk [tilespmem:v20+s16+$0x0], $0xffff  }
0x49: {  	p3 =	slt.u32 s15, $0x7C;
	v27 =	vor.u32 $0x280, v12;
	s6 =	sor.u32 s12, s23;
	v23 =	vld [tilespmem:s19+$0x0];
	s19 =	sor.u32 s4, s23  }
0x4a: {  	v29 =	vor.u32 $0x200, v12;
	v28 =	vld [tilespmem:s6+$0x0];
	[tilespmem:s20+$0x0] =	vst v15;
	s6 =	smov.u32 s4  }
0x4b: {  	v15 =	vld [tilespmem:s19+$0x0];
	[tilespmem:s20+$0x80] =	vst v14  }
0x4c: {  	v14 =	vor.u32 $0x100, v12;
	v17 =	vld.idx.msk [tilespmem:v17+s16+$0x0], $0xffff;
	[tilespmem:s20+$0x100] =	vst v24  }
0x4d: {  	s4 =	sor.u32 s7, s10;
	s7 =	smov.u32 s11;
	v24 =	vor.u32 $0x80, v12;
	[tilespmem:s14+$0x0] =	vst v19;
	v19 =	vld.idx.msk [tilespmem:v21+s16+$0x0], $0xffff  }
0x4e: {  	v30 =	vshll.u32 v23, $0x3;
	[tilespmem:s4+$0x100] =	vst v16;
	v16 =	vor.u32 $0x180, v12;
	v21 =	vld.idx.msk [tilespmem:v27+s16+$0x0], $0xffff  }
0x4f: {  	v23 =	vand.u32 $0x7F, v23;
	v27 =	vand.u32 $0xFFFFFC00, v30;
	v30 =	vshll.u32 v28, $0x3;
	[tilespmem:s4+$0x0] =	vst v10;
	v29 =	vld.idx.msk [tilespmem:v29+s16+$0x0], $0xffff  }
0x50: {  	s11 =	simm.s32 $0x1;
	v23 =	vor.u32 v23, v27;
	v10 =	vand.u32 $0x7F, v15;
	v15 =	vshll.u32 v15, $0x3;
	[tilespmem:s14+$0x80] =	vst v26;
	v26 =	vld.idx.msk [tilespmem:v12+s16+$0x0], $0xffff  }
0x51: {  	s11 =	simm.s32 @!p1 $0x0;
	p1 =	por p2, p2;
	v12 =	vand.u32 $0xFFFFFC00, v30;
	v27 =	vor.u32 $0x200, v23;
	v15 =	vand.u32 $0xFFFFFC00, v15;
	[tilespmem:s4+$0x80] =	vst v25;
	v25 =	vld.idx.msk [tilespmem:v14+s16+$0x0], $0xffff  }
0x52: {  	s11 =	sshll.u32 s11, $0x6;
	v30 =	vor.u32 $0x80, v23;
	v14 =	vand.u32 $0x7F, v28;
	v28 =	vor.u32 v10, v15;
	[tilespmem:s4+$0x180] =	vst v22;
	v24 =	vld.idx.msk [tilespmem:v24+s16+$0x0], $0xffff  }
0x53: {  	s11 =	sadd.s32 s11, s0;
	s0 =	smov.u32 s8;
	v32 =	vor.u32 $0x280, v23;
	v33 =	vor.u32 $0x380, v23;
	v31 =	vld [tilespmem:s29+$0x0];
	v34 =	vor.u32 $0x80, v28;
	[tilespmem:s20+$0x180] =	vst v20  }
0x54: {  	s19 =	sadd.s32 $0x10, s11;
	v35 =	vor.u32 $0x300, v23;
	v12 =	vor.u32 v14, v12;
	s4 =	sor.u32 $0x200, s11;
	v36 =	vor.u32 $0x100, v28;
	s20 =	sadd.s32 $0x30, s11;
	[tilespmem:s14+$0x180] =	vst v18;
	v18 =	vld.idx.msk [tilespmem:v16+s16+$0x0], $0xffff  }
0x55: {  	v20 =	vor.u32 $0x180, v28;
	s14 =	sadd.s32 $0x20, s11;
	v10 =	vld.idx.msk [tilespmem:v23+s16+$0x0], $0xffff;
	[tilespmem:s4+$0x10800] =	vst v13;
	s4 =	sor.u32 $0x200, s20  }
0x56: {  	s10 =	sor.u32 s3, s10;
	s3 =	smov.u32 s12;
	v16 =	vor.u32 $0x380, v28;
	v13 =	vor.u32 $0x100, v23;
	v27 =	vld.idx.msk [tilespmem:v27+s16+$0x0], $0xffff;
	[tilespmem:s4+$0x10800] =	vst v11  }
0x57: {  	v22 =	vor.u32 $0x180, v23;
	v15 =	vld.idx.msk [tilespmem:v28+s16+$0x0], $0xffff;
	[tilespmem:s10+$0x0] =	vst v26  }
0x58: {  	v26 =	vor.u32 $0x300, v28;
	v11 =	vshll.u32 v31, $0x3;
	v14 =	vld.idx.msk [tilespmem:v34+s16+$0x0], $0xffff;
	[tilespmem:s10+$0x80] =	vst v24  }
0x59: {  	s4 =	sor.u32 $0x200, s19;
	v23 =	vand.u32 $0x7F, v31;
	v31 =	vor.u32 $0x280, v28;
	v11 =	vand.u32 $0xFFFFFC00, v11;
	v24 =	vld.idx.msk [tilespmem:v35+s16+$0x0], $0xffff;
	[tilespmem:s10+$0x100] =	vst v25  }
0x5a: {  	v23 =	vor.u32 v23, v11;
	v25 =	vld.idx.msk [tilespmem:v32+s16+$0x0], $0xffff;
	v11 =	vor.u32 $0x200, v28;
	[tilespmem:s4+$0x10800] =	vst v4;
	s4 =	sor.u32 $0x280, s19  }
0x5b: {  	v28 =	vor.u32 $0x80, v23;
	v32 =	vor.u32 $0x180, v23;
	v34 =	vor.u32 $0x380, v23;
	v35 =	vld.idx.msk [tilespmem:v16+s16+$0x0], $0xffff;
	[tilespmem:s4+$0x10800] =	vst v8;
	s4 =	sor.u32 $0x300, s19  }
0x5c: {  	v37 =	vor.u32 $0x100, v23;
	v38 =	vor.u32 $0x200, v23;
	v4 =	vmov v27;
	v16 =	vld.idx.msk [tilespmem:v13+s16+$0x0], $0xffff;
	[tilespmem:s4+$0x10800] =	vst v5;
	s4 =	sor.u32 $0x380, s19  }
0x5d: {  	v26 =	vld.idx.msk [tilespmem:v26+s16+$0x0], $0xffff;
	[tilespmem:s4+$0x10800] =	vst v6;
	s4 =	sor.u32 $0x280, s20  }
0x5e: {  	s12 =	sor.u32 $0x280, s11;
	[tilespmem:s4+$0x10800] =	vst v3;
	v3 =	vld.idx.msk [tilespmem:v31+s16+$0x0], $0xffff  }
0x5f: {  	v5 =	vmov v24;
	v11 =	vld.idx.msk [tilespmem:v11+s16+$0x0], $0xffff;
	[tilespmem:s12+$0x10800] =	vst v9  }
0x60: {  	s4 =	sor.u32 $0x200, s14;
	v9 =	vor.u32 $0x280, v23;
	v8 =	vmov v25;
	v6 =	vld.idx.msk [tilespmem:v33+s16+$0x0], $0xffff;
	[tilespmem:s10+$0x180] =	vst v18  }
0x61: {  	v18 =	vor.u32 $0x300, v23;
	v24 =	vld.idx.msk [tilespmem:v36+s16+$0x0], $0xffff;
	[tilespmem:s4+$0x10800] =	vst v29;
	s4 =	sor.u32 $0x300, s20  }
0x62: {  	s10 =	sor.u32 $0x300, s11;
	v29 =	vld.idx.msk [tilespmem:v34+s16+$0x0], $0xffff;
	[tilespmem:s4+$0x10800] =	vst v2  }
0x63: {  	s4 =	sor.u32 $0x380, s20;
	v2 =	vmov v26;
	v13 =	vld.idx.msk [tilespmem:v38+s16+$0x0], $0xffff;
	[tilespmem:s10+$0x10800] =	vst v7  }
0x64: {  	s10 =	sor.u32 $0x280, s14;
	v27 =	vld.idx.msk [tilespmem:v37+s16+$0x0], $0xffff;
	[tilespmem:s4+$0x10800] =	vst v0;
	v0 =	vmov v35  }
.Ltmp0:
0x65: {  	s4 =	sor.u32 $0x300, s14;
	v9 =	vld.idx.msk [tilespmem:v9+s16+$0x0], $0xffff;
	[tilespmem:s10+$0x10800] =	vst v21;
	(pc) =	sbr.rel @p3 .LBB2_3-.Ltmp0, $4  }
0x66: {  	s10 =	sor.u32 $0x380, s11;
	v7 =	vld.idx.msk [tilespmem:v18+s16+$0x0], $0xffff;
	[tilespmem:s4+$0x10800] =	vst v19;
	s4 =	sor.u32 $0x380, s14  }
0x67: {  	v18 =	vld.idx.msk [tilespmem:v32+s16+$0x0], $0xffff;
	[tilespmem:s4+$0x10800] =	vst v17  }
0x68: {  	p2 =	por !p2, !p2;
	s29 =	sadd.s32 $0x40, s29;
	s4 =	sand.u32 $0x3C00, s8;
	v25 =	vld.idx.msk [tilespmem:v30+s16+$0x0], $0xffff;
	[tilespmem:s10+$0x10800] =	vst v1;
	v1 =	vmov v29  }
0x69: {  	s9 =	sadd.s32 $0x40, s9;
	s8 =	sadd.s32 $0x200, s8;
	s10 =	sadd.s32 $0x10800, s4;
	v26 =	vld.idx.msk [tilespmem:v28+s16+$0x0], $0xffff  }
0x6a: {  	_ =	sdelay $0x2  }
0x6b: {  	s4 =	sor.u32 s13, s10  }
0x6c: {  	v17 =	vld.idx.msk [tilespmem:v23+s16+$0x0], $0xffff;
	s6 =	sor.u32 s6, s10;
	[tilespmem:s4+$0x100] =	vst v27  }
0x6d: {  	v19 =	vld.idx.msk [tilespmem:v20+s16+$0x0], $0xffff;
	[tilespmem:s6+$0x0] =	vst v15  }
0x6e: {  	[tilespmem:s6+$0x80] =	vst v14  }
0x6f: {  	s7 =	sor.u32 s7, s10;
	[tilespmem:s6+$0x100] =	vst v24  }
0x70: {  	v21 =	vld.idx.msk [tilespmem:v22+s16+$0x0], $0xffff;
	[tilespmem:s7+$0x100] =	vst v16  }
0x71: {  	[tilespmem:s7+$0x0] =	vst v10  }
0x72: {  	[tilespmem:s4+$0x180] =	vst v18  }
0x73: {  	s8 =	simm.s32 $0x1;
	[tilespmem:s7+$0x80] =	vst v25  }
0x74: {  	s8 =	simm.s32 @!p1 $0x0;
	[tilespmem:s4+$0x80] =	vst v26  }
0x75: {  	s8 =	sshll.u32 s8, $0x6;
	[tilespmem:s4+$0x0] =	vst v17  }
0x76: {  	s0 =	sadd.s32 s8, s0;
	[tilespmem:s7+$0x180] =	vst v21  }
0x77: {  	v20 =	vor.u32 $0x380, v12;
	s14 =	sor.u32 $0x200, s0;
	s15 =	sadd.s32 $0x30, s0;
	[tilespmem:s6+$0x180] =	vst v19  }
0x78: {  	s20 =	sadd.s32 $0x10, s0;
	s19 =	sor.u32 $0x200, s15;
	[tilespmem:s14+$0x10800] =	vst v13  }
0x79: {  	v15 =	vor.u32 $0x300, v12;
	s22 =	sor.u32 $0x200, s20;
	[tilespmem:s19+$0x10800] =	vst v11  }
0x7a: {  	v16 =	vor.u32 $0x100, v12;
	s23 =	sor.u32 $0x280, s20;
	[tilespmem:s22+$0x10800] =	vst v4  }
0x7b: {  	v22 =	vor.u32 $0x180, v12;
	s9 =	sor.u32 $0x280, s15;
	[tilespmem:s23+$0x10800] =	vst v8  }
0x7c: {  	s3 =	sor.u32 s3, s10;
	s10 =	sor.u32 $0x280, s0;
	v17 =	vor.u32 $0x80, v12;
	v20 =	vld.idx.msk [tilespmem:v20+s16+$0x0], $0xffff;
	[tilespmem:s9+$0x10800] =	vst v3  }
0x7d: {  	v14 =	vor.u32 $0x280, v12;
	v10 =	vor.u32 $0x200, v12;
	v12 =	vld.idx.msk [tilespmem:v12+s16+$0x0], $0xffff;
	s8 =	sor.u32 $0x300, s20;
	[tilespmem:s10+$0x10800] =	vst v9  }
0x7e: {  	s13 =	sor.u32 $0x300, s15;
	v15 =	vld.idx.msk [tilespmem:v15+s16+$0x0], $0xffff;
	[tilespmem:s8+$0x10800] =	vst v5  }
0x7f: {  	v16 =	vld.idx.msk [tilespmem:v16+s16+$0x0], $0xffff;
	s14 =	sor.u32 $0x300, s0;
	[tilespmem:s13+$0x10800] =	vst v2  }
0x80: {  	s4 =	sor.u32 $0x380, s20;
	v13 =	vld.idx.msk [tilespmem:v22+s16+$0x0], $0xffff;
	[tilespmem:s14+$0x10800] =	vst v7  }
0x81: {  	s15 =	sor.u32 $0x380, s15;
	[tilespmem:s4+$0x10800] =	vst v6;
	v17 =	vld.idx.msk [tilespmem:v17+s16+$0x0], $0xffff  }
0x82: {  	v10 =	vld.idx.msk [tilespmem:v10+s16+$0x0], $0xffff;
	[tilespmem:s15+$0x10800] =	vst v0  }
0x83: {  	v14 =	vld.idx.msk [tilespmem:v14+s16+$0x0], $0xffff;
	[tilespmem:s3+$0x0] =	vst v12  }
0x84: {  	[tilespmem:s3+$0x100] =	vst v16  }
0x85: {  	s11 =	sadd.s32 $0x20, s0;
	[tilespmem:s3+$0x180] =	vst v13  }
0x86: {  	s12 =	sor.u32 $0x200, s11;
	[tilespmem:s3+$0x80] =	vst v17  }
0x87: {  	s19 =	sor.u32 $0x280, s11;
	[tilespmem:s12+$0x10800] =	vst v10  }
0x88: {  	s20 =	sor.u32 $0x300, s11;
	[tilespmem:s19+$0x10800] =	vst v14  }
0x89: {  	s23 =	sor.u32 $0x380, s11;
	[tilespmem:s20+$0x10800] =	vst v15  }
0x8a: {  	s0 =	sor.u32 $0x380, s0;
	s7 =	rddreg [dreg:$0xa];
	[tilespmem:s23+$0x10800] =	vst v20  }
0x8b: {  	s22 =	sshll.u32 s30, $0x10;
	[tilespmem:s0+$0x10800] =	vst v1  }
0x8c: {  	s4 =	sadd.s32 s7, s22;
	s11 =	rddreg [dreg:$0x7]  }
0x8d: {  	s8 =	sshrl.u32 s4, $0x3;
	s0 =	sadd.s32 s11, s31  }
0x8e: {  	s10 =	simm.s32 $0x10800;
	s9 =	sadd.s32 s24, s8;
	s0 =	sshll.u32 s0, $0xB  }
0x8f: {  	[hbm4b:s9+s5] =	stream.linear.scatter [tilespmem:s10], [sflag:$0x5], $0x4000, $0x38;
	[tilespmem:$0x18800] =	vst v63  }
0x90: {  	s0 =	sand.u32 $0x1FFFF800, s0  }
0x91: {  	s13 =	simm.s32 $0x2;
	s12 =	sadd.s32 s1, s0  }
0x92: {  	[tilespmem:s21], [sflag:$0x4] =	stream.linear.gather [hbm4b:s12+s5], $0x4000, $0x38;
	[tilespmem:$0x18800] =	vst v63  }
0x93: {  	_ =	swait.ge [sflag:s13], $0x4000  }
0x94: {  	[sflag:s13] =	ssyncset.done $0x0  }
0x95: {  	s3 =	simm.s32 $0x0;
	s4 =	simm.s32 @!p0 $0x6;
	[sflag:s13] =	ssyncadd.s32 $0xFFFFC000  }
0x96: {  	s6 =	sand.u32 $0x40, s3;
	_ =	swait.ge @!p0 [sflag:s4], $0x4000  }
0x97: {  	s14 =	sand.u32 $0x780, s3;
	s13 =	sor.u32 $0x10, s6;
	[sflag:s4] =	ssyncset.done @!p0 $0x0  }
0x98: {  	s19 =	sor.u32 s13, s14;
	[sflag:s4] =	ssyncadd.s32 @!p0 $0xFFFFC000  }
0x99: {  	v0 =	vld [tilespmem:s19+$0x0];
	_ =	sdelay $0x1  }
0x9a: {  	s15 =	sor.u32 $0x30, s6  }
0x9b: {  	s20 =	sor.u32 s15, s14  }
0x9c: {  	v1 =	vld [tilespmem:s20+$0x0]  }
0x9d: {  	v2 =	vshll.u32 v0, $0x3  }
0x9e: {  	v0 =	vand.u32 $0x7F, v0;
	v2 =	vand.u32 $0xFFFFFC00, v2  }
0x9f: {  	v17 =	vor.u32 v0, v2  }
0xa0: {  	s7 =	sor.u32 $0x20, s6;
	v2 =	vor.u32 $0x200, v17  }
0xa1: {  	s22 =	sor.u32 s7, s14;
	v0 =	vshll.u32 v1, $0x3;
	v3 =	vor.u32 $0x300, v17  }
0xa2: {  	v12 =	vld [tilespmem:s22+$0x0];
	v1 =	vand.u32 $0x7F, v1;
	v0 =	vand.u32 $0xFFFFFC00, v0;
	v6 =	vor.u32 $0x280, v17  }
0xa3: {  	v7 =	vor.u32 $0x100, v17;
	v19 =	vor.u32 v1, v0;
	v1 =	vld [tilespmem:s3+$0x0]  }
0xa4: {  	v22 =	vor.u32 $0x80, v17;
	v10 =	vld.idx.msk [tilespmem:v17+s17+$0x0], $0xffff  }
0xa5: {  	v0 =	vor.u32 $0x80, v19;
	v4 =	vld.idx.msk [tilespmem:v2+s17+$0x0], $0xffff  }
0xa6: {  	v5 =	vld.idx.msk [tilespmem:v3+s17+$0x0], $0xffff  }
0xa7: {  	v18 =	vor.u32 $0x100, v19;
	v8 =	vld.idx.msk [tilespmem:v6+s17+$0x0], $0xffff  }
0xa8: {  	v2 =	vor.u32 $0x380, v19;
	v16 =	vld.idx.msk [tilespmem:v7+s17+$0x0], $0xffff  }
0xa9: {  	v9 =	vor.u32 $0x300, v19;
	v25 =	vld.idx.msk [tilespmem:v22+s17+$0x0], $0xffff  }
0xaa: {  	v3 =	vor.u32 $0x280, v19;
	v14 =	vld.idx.msk [tilespmem:v0+s17+$0x0], $0xffff;
	v0 =	vshll.u32 v1, $0x3  }
0xab: {  	v6 =	vor.u32 $0x200, v19;
	v15 =	vld.idx.msk [tilespmem:v19+s17+$0x0], $0xffff;
	v1 =	vand.u32 $0x7F, v1;
	v11 =	vand.u32 $0xFFFFFC00, v0  }
0xac: {  	v13 =	vor.u32 $0x380, v17;
	v24 =	vld.idx.msk [tilespmem:v18+s17+$0x0], $0xffff;
	v23 =	vor.u32 v1, v11  }
0xad: {  	v0 =	vld.idx.msk [tilespmem:v2+s17+$0x0], $0xffff;
	v1 =	vor.u32 $0x380, v23  }
0xae: {  	v2 =	vld.idx.msk [tilespmem:v9+s17+$0x0], $0xffff;
	v9 =	vor.u32 $0x100, v23  }
0xaf: {  	v3 =	vld.idx.msk [tilespmem:v3+s17+$0x0], $0xffff;
	v20 =	vor.u32 $0x280, v23  }
0xb0: {  	v7 =	vor.u32 $0x200, v23;
	v11 =	vld.idx.msk [tilespmem:v6+s17+$0x0], $0xffff  }
0xb1: {  	v6 =	vld.idx.msk [tilespmem:v13+s17+$0x0], $0xffff;
	v21 =	vor.u32 $0x300, v23  }
0xb2: {  	v18 =	vor.u32 $0x180, v23;
	v1 =	vld.idx.msk [tilespmem:v1+s17+$0x0], $0xffff  }
0xb3: {  	v26 =	vor.u32 $0x80, v23;
	v27 =	vld.idx.msk [tilespmem:v9+s17+$0x0], $0xffff  }
0xb4: {  	v9 =	vld.idx.msk [tilespmem:v20+s17+$0x0], $0xffff;
	v20 =	vshll.u32 v12, $0x3  }
0xb5: {  	v22 =	vor.u32 $0x180, v17;
	v13 =	vld.idx.msk [tilespmem:v7+s17+$0x0], $0xffff;
	v12 =	vand.u32 $0x7F, v12;
	v20 =	vand.u32 $0xFFFFFC00, v20  }
0xb6: {  	p6 =	por $0x0, $0x0;
	s29 =	simm.s32 $0x0;
	s23 =	sand.u32 $0x3C00, s3;
	v7 =	vld.idx.msk [tilespmem:v21+s17+$0x0], $0xffff;
	v12 =	vor.u32 v12, v20;
	v20 =	vor.u32 $0x180, v19  }
0xb7: {  	p1 =	por !p6, !p6;
	s11 =	sadd.s32 $0x14800, s23;
	s8 =	simm.s32 $0x40;
	v18 =	vld.idx.msk [tilespmem:v18+s17+$0x0], $0xffff  }
0xb8: {  	s9 =	simm.s32 $0x200;
	s10 =	simm.s32 $0x40;
	p0 =	por p6, p6;
	v26 =	vld.idx.msk [tilespmem:v26+s17+$0x0], $0xffff  }
.LBB2_5:
0xb9: {  	s29 =	sadd.s32 $0x4, s29;
	v19 =	vld.idx.msk [tilespmem:v23+s17+$0x0], $0xffff;
	s20 =	sor.u32 s6, s11;
	s6 =	sand.u32 $0x40, s10  }
0xba: {  	s12 =	sand.u32 $0x780, s10;
	v17 =	vor.u32 $0x380, v12;
	s4 =	sor.u32 $0x10, s6;
	s19 =	sor.u32 $0x30, s6;
	[tilespmem:s20+$0x100] =	vst v27;
	v22 =	vld.idx.msk [tilespmem:v22+s17+$0x0], $0xffff  }
0xbb: {  	v21 =	vor.u32 $0x300, v12;
	s23 =	sor.u32 s15, s11;
	s14 =	sor.u32 $0x20, s6;
	s22 =	sor.u32 s4, s12;
	v20 =	vld.idx.msk [tilespmem:v20+s17+$0x0], $0xffff  }
0xbc: {  	p2 =	slt.u32 s29, $0x7C;
	v27 =	vor.u32 $0x280, v12;
	s15 =	sor.u32 s14, s12;
	s12 =	sor.u32 s19, s12;
	v23 =	vld [tilespmem:s22+$0x0]  }
0xbd: {  	v29 =	vor.u32 $0x200, v12;
	v28 =	vld [tilespmem:s15+$0x0];
	[tilespmem:s23+$0x0] =	vst v15;
	s15 =	smov.u32 s19  }
0xbe: {  	v15 =	vld [tilespmem:s12+$0x0];
	[tilespmem:s23+$0x80] =	vst v14  }
0xbf: {  	v14 =	vor.u32 $0x100, v12;
	v17 =	vld.idx.msk [tilespmem:v17+s17+$0x0], $0xffff;
	[tilespmem:s23+$0x100] =	vst v24  }
0xc0: {  	s12 =	sor.u32 s13, s11;
	s13 =	smov.u32 s4;
	v24 =	vor.u32 $0x80, v12;
	[tilespmem:s20+$0x0] =	vst v19;
	v19 =	vld.idx.msk [tilespmem:v21+s17+$0x0], $0xffff  }
0xc1: {  	v30 =	vshll.u32 v23, $0x3;
	[tilespmem:s12+$0x100] =	vst v16;
	v16 =	vor.u32 $0x180, v12;
	v21 =	vld.idx.msk [tilespmem:v27+s17+$0x0], $0xffff  }
0xc2: {  	v23 =	vand.u32 $0x7F, v23;
	v27 =	vand.u32 $0xFFFFFC00, v30;
	v30 =	vshll.u32 v28, $0x3;
	[tilespmem:s12+$0x0] =	vst v10;
	v29 =	vld.idx.msk [tilespmem:v29+s17+$0x0], $0xffff  }
0xc3: {  	s4 =	simm.s32 $0x1;
	v23 =	vor.u32 v23, v27;
	v10 =	vand.u32 $0x7F, v15;
	v15 =	vshll.u32 v15, $0x3;
	[tilespmem:s20+$0x80] =	vst v26;
	v26 =	vld.idx.msk [tilespmem:v12+s17+$0x0], $0xffff  }
0xc4: {  	s4 =	simm.s32 @!p0 $0x0;
	p0 =	por p1, p1;
	v12 =	vand.u32 $0xFFFFFC00, v30;
	v27 =	vor.u32 $0x200, v23;
	v15 =	vand.u32 $0xFFFFFC00, v15;
	[tilespmem:s12+$0x80] =	vst v25;
	v25 =	vld.idx.msk [tilespmem:v14+s17+$0x0], $0xffff  }
0xc5: {  	s4 =	sshll.u32 s4, $0x6;
	v30 =	vor.u32 $0x80, v23;
	v14 =	vand.u32 $0x7F, v28;
	v28 =	vor.u32 v10, v15;
	[tilespmem:s12+$0x180] =	vst v22;
	v24 =	vld.idx.msk [tilespmem:v24+s17+$0x0], $0xffff  }
0xc6: {  	v32 =	vor.u32 $0x280, v23;
	v33 =	vor.u32 $0x380, v23;
	s12 =	sadd.s32 s4, s3;
	s3 =	smov.u32 s9;
	v31 =	vld [tilespmem:s8+$0x0];
	v34 =	vor.u32 $0x80, v28;
	[tilespmem:s23+$0x180] =	vst v20  }
0xc7: {  	v35 =	vor.u32 $0x300, v23;
	v12 =	vor.u32 v14, v12;
	v36 =	vor.u32 $0x100, v28;
	s4 =	sor.u32 $0x200, s12;
	s19 =	sadd.s32 $0x10, s12;
	s23 =	sadd.s32 $0x30, s12;
	[tilespmem:s20+$0x180] =	vst v18;
	v18 =	vld.idx.msk [tilespmem:v16+s17+$0x0], $0xffff  }
0xc8: {  	v20 =	vor.u32 $0x180, v28;
	s20 =	sadd.s32 $0x20, s12;
	v10 =	vld.idx.msk [tilespmem:v23+s17+$0x0], $0xffff;
	[tilespmem:s4+$0x14800] =	vst v13;
	s4 =	sor.u32 $0x200, s23  }
0xc9: {  	s11 =	sor.u32 s7, s11;
	s7 =	smov.u32 s14;
	v16 =	vor.u32 $0x380, v28;
	v13 =	vor.u32 $0x100, v23;
	v27 =	vld.idx.msk [tilespmem:v27+s17+$0x0], $0xffff;
	[tilespmem:s4+$0x14800] =	vst v11  }
0xca: {  	v22 =	vor.u32 $0x180, v23;
	v15 =	vld.idx.msk [tilespmem:v28+s17+$0x0], $0xffff;
	[tilespmem:s11+$0x0] =	vst v26  }
0xcb: {  	v26 =	vor.u32 $0x300, v28;
	v11 =	vshll.u32 v31, $0x3;
	v14 =	vld.idx.msk [tilespmem:v34+s17+$0x0], $0xffff;
	[tilespmem:s11+$0x80] =	vst v24  }
0xcc: {  	s4 =	sor.u32 $0x200, s19;
	v23 =	vand.u32 $0x7F, v31;
	v31 =	vor.u32 $0x280, v28;
	v11 =	vand.u32 $0xFFFFFC00, v11;
	v24 =	vld.idx.msk [tilespmem:v35+s17+$0x0], $0xffff;
	[tilespmem:s11+$0x100] =	vst v25  }
0xcd: {  	v23 =	vor.u32 v23, v11;
	v25 =	vld.idx.msk [tilespmem:v32+s17+$0x0], $0xffff;
	v11 =	vor.u32 $0x200, v28;
	[tilespmem:s4+$0x14800] =	vst v4;
	s4 =	sor.u32 $0x280, s19  }
0xce: {  	v28 =	vor.u32 $0x80, v23;
	v32 =	vor.u32 $0x180, v23;
	v34 =	vor.u32 $0x380, v23;
	v35 =	vld.idx.msk [tilespmem:v16+s17+$0x0], $0xffff;
	[tilespmem:s4+$0x14800] =	vst v8;
	s4 =	sor.u32 $0x300, s19  }
0xcf: {  	v37 =	vor.u32 $0x100, v23;
	v38 =	vor.u32 $0x200, v23;
	v4 =	vmov v27;
	v16 =	vld.idx.msk [tilespmem:v13+s17+$0x0], $0xffff;
	[tilespmem:s4+$0x14800] =	vst v5;
	s4 =	sor.u32 $0x380, s19  }
0xd0: {  	v26 =	vld.idx.msk [tilespmem:v26+s17+$0x0], $0xffff;
	[tilespmem:s4+$0x14800] =	vst v6;
	s4 =	sor.u32 $0x280, s23  }
0xd1: {  	s14 =	sor.u32 $0x280, s12;
	[tilespmem:s4+$0x14800] =	vst v3;
	v3 =	vld.idx.msk [tilespmem:v31+s17+$0x0], $0xffff  }
0xd2: {  	v5 =	vmov v24;
	v11 =	vld.idx.msk [tilespmem:v11+s17+$0x0], $0xffff;
	[tilespmem:s14+$0x14800] =	vst v9  }
0xd3: {  	s4 =	sor.u32 $0x200, s20;
	v9 =	vor.u32 $0x280, v23;
	v8 =	vmov v25;
	v6 =	vld.idx.msk [tilespmem:v33+s17+$0x0], $0xffff;
	[tilespmem:s11+$0x180] =	vst v18  }
0xd4: {  	v18 =	vor.u32 $0x300, v23;
	v24 =	vld.idx.msk [tilespmem:v36+s17+$0x0], $0xffff;
	[tilespmem:s4+$0x14800] =	vst v29;
	s4 =	sor.u32 $0x300, s23  }
0xd5: {  	s11 =	sor.u32 $0x300, s12;
	v29 =	vld.idx.msk [tilespmem:v34+s17+$0x0], $0xffff;
	[tilespmem:s4+$0x14800] =	vst v2  }
0xd6: {  	s4 =	sor.u32 $0x380, s23;
	v2 =	vmov v26;
	v13 =	vld.idx.msk [tilespmem:v38+s17+$0x0], $0xffff;
	[tilespmem:s11+$0x14800] =	vst v7  }
0xd7: {  	s11 =	sor.u32 $0x280, s20;
	v27 =	vld.idx.msk [tilespmem:v37+s17+$0x0], $0xffff;
	[tilespmem:s4+$0x14800] =	vst v0;
	v0 =	vmov v35  }
.Ltmp1:
0xd8: {  	s4 =	sor.u32 $0x300, s20;
	v9 =	vld.idx.msk [tilespmem:v9+s17+$0x0], $0xffff;
	[tilespmem:s11+$0x14800] =	vst v21;
	(pc) =	sbr.rel @p2 .LBB2_5-.Ltmp1, $4  }
0xd9: {  	s11 =	sor.u32 $0x380, s12;
	v7 =	vld.idx.msk [tilespmem:v18+s17+$0x0], $0xffff;
	[tilespmem:s4+$0x14800] =	vst v19;
	s4 =	sor.u32 $0x380, s20  }
0xda: {  	v18 =	vld.idx.msk [tilespmem:v32+s17+$0x0], $0xffff;
	[tilespmem:s4+$0x14800] =	vst v17  }
0xdb: {  	p1 =	por !p1, !p1;
	s8 =	sadd.s32 $0x40, s8;
	s4 =	sand.u32 $0x3C00, s9;
	v25 =	vld.idx.msk [tilespmem:v30+s17+$0x0], $0xffff;
	[tilespmem:s11+$0x14800] =	vst v1;
	v1 =	vmov v29  }
0xdc: {  	s10 =	sadd.s32 $0x40, s10;
	s9 =	sadd.s32 $0x200, s9;
	s11 =	sadd.s32 $0x14800, s4;
	v26 =	vld.idx.msk [tilespmem:v28+s17+$0x0], $0xffff  }
0xdd: {  	_ =	sdelay $0x2  }
0xde: {  	s4 =	sor.u32 s6, s11  }
0xdf: {  	v17 =	vld.idx.msk [tilespmem:v23+s17+$0x0], $0xffff;
	s23 =	sor.u32 s15, s11;
	[tilespmem:s4+$0x100] =	vst v27  }
0xe0: {  	v19 =	vld.idx.msk [tilespmem:v20+s17+$0x0], $0xffff;
	[tilespmem:s23+$0x0] =	vst v15  }
0xe1: {  	[tilespmem:s23+$0x80] =	vst v14  }
0xe2: {  	s8 =	sor.u32 s13, s11;
	[tilespmem:s23+$0x100] =	vst v24  }
0xe3: {  	v21 =	vld.idx.msk [tilespmem:v22+s17+$0x0], $0xffff;
	[tilespmem:s8+$0x100] =	vst v16  }
0xe4: {  	[tilespmem:s8+$0x0] =	vst v10  }
0xe5: {  	[tilespmem:s4+$0x180] =	vst v18  }
0xe6: {  	s9 =	simm.s32 $0x1;
	[tilespmem:s8+$0x80] =	vst v25  }
0xe7: {  	s9 =	simm.s32 @!p0 $0x0;
	[tilespmem:s4+$0x80] =	vst v26  }
0xe8: {  	s9 =	sshll.u32 s9, $0x6;
	[tilespmem:s4+$0x0] =	vst v17  }
0xe9: {  	s3 =	sadd.s32 s9, s3;
	[tilespmem:s8+$0x180] =	vst v21  }
0xea: {  	s10 =	sor.u32 $0x200, s3;
	s6 =	sadd.s32 $0x30, s3;
	[tilespmem:s23+$0x180] =	vst v19  }
0xeb: {  	v20 =	vor.u32 $0x380, v12;
	s13 =	sadd.s32 $0x10, s3;
	s12 =	sor.u32 $0x200, s6;
	[tilespmem:s10+$0x14800] =	vst v13  }
0xec: {  	s14 =	sor.u32 $0x200, s13;
	[tilespmem:s12+$0x14800] =	vst v11  }
0xed: {  	v15 =	vor.u32 $0x300, v12;
	s15 =	sor.u32 $0x280, s13;
	[tilespmem:s14+$0x14800] =	vst v4  }
0xee: {  	v16 =	vor.u32 $0x100, v12;
	s20 =	sor.u32 $0x280, s6;
	[tilespmem:s15+$0x14800] =	vst v8  }
0xef: {  	v22 =	vor.u32 $0x180, v12;
	s22 =	sor.u32 $0x280, s3;
	[tilespmem:s20+$0x14800] =	vst v3  }
0xf0: {  	v17 =	vor.u32 $0x80, v12;
	v20 =	vld.idx.msk [tilespmem:v20+s17+$0x0], $0xffff;
	s19 =	sor.u32 $0x300, s13;
	[tilespmem:s22+$0x14800] =	vst v9  }
0xf1: {  	v14 =	vor.u32 $0x280, v12;
	v10 =	vor.u32 $0x200, v12;
	v12 =	vld.idx.msk [tilespmem:v12+s17+$0x0], $0xffff;
	s9 =	sor.u32 $0x300, s6;
	[tilespmem:s19+$0x14800] =	vst v5  }
0xf2: {  	v15 =	vld.idx.msk [tilespmem:v15+s17+$0x0], $0xffff;
	s10 =	sor.u32 $0x300, s3;
	[tilespmem:s9+$0x14800] =	vst v2  }
0xf3: {  	s4 =	sor.u32 $0x380, s13;
	v16 =	vld.idx.msk [tilespmem:v16+s17+$0x0], $0xffff;
	[tilespmem:s10+$0x14800] =	vst v7  }
0xf4: {  	s6 =	sor.u32 $0x380, s6;
	v13 =	vld.idx.msk [tilespmem:v22+s17+$0x0], $0xffff;
	[tilespmem:s4+$0x14800] =	vst v6  }
0xf5: {  	s23 =	sadd.s32 $0x20, s3;
	s3 =	sor.u32 $0x380, s3;
	[tilespmem:s6+$0x14800] =	vst v0;
	v17 =	vld.idx.msk [tilespmem:v17+s17+$0x0], $0xffff  }
0xf6: {  	s7 =	sor.u32 s7, s11;
	v10 =	vld.idx.msk [tilespmem:v10+s17+$0x0], $0xffff;
	[tilespmem:s3+$0x14800] =	vst v1  }
0xf7: {  	v14 =	vld.idx.msk [tilespmem:v14+s17+$0x0], $0xffff;
	[tilespmem:s7+$0x0] =	vst v12  }
0xf8: {  	[tilespmem:s7+$0x100] =	vst v16  }
0xf9: {  	[tilespmem:s7+$0x180] =	vst v13  }
0xfa: {  	s8 =	sor.u32 $0x200, s23;
	[tilespmem:s7+$0x80] =	vst v17  }
0xfb: {  	s11 =	sor.u32 $0x280, s23;
	[tilespmem:s8+$0x14800] =	vst v10  }
0xfc: {  	s12 =	sor.u32 $0x300, s23;
	[tilespmem:s11+$0x14800] =	vst v14  }
0xfd: {  	s4 =	sor.u32 $0x380, s23;
	[tilespmem:s12+$0x14800] =	vst v15  }
0xfe: {  	[tilespmem:s4+$0x14800] =	vst v20  }
0xff: {  	s13 =	sshll.u32 s30, $0xD;
	s3 =	rddreg [dreg:$0xc]  }
0x100: {  	s14 =	simm.s32 $0x14800;
	s3 =	sadd.s32 s3, s13  }
0x101: {  	[hbm4b:s3+s5] =	stream.linear.scatter [tilespmem:s14], [sflag:$0x6], $0x4000, $0x38;
	[tilespmem:$0x18800] =	vst v63  }
0x102: {  	p0 =	seq.s32 s30, $0xA;
	s3 =	rddreg [dreg:$0x8]  }
0x103: {  	s3 =	sadd.s32 @!p0 s3, s31  }
0x104: {  	s3 =	sshll.u32 @!p0 s3, $0xB  }
0x105: {  	s15 =	simm.s32 $0x3;
	s3 =	sand.u32 @!p0 $0x1FFFE000, s3  }
0x106: {  	s6 =	simm.s32 @!p0 $0x800;
	s4 =	simm.s32 @!p0 $0x0;
	s3 =	sadd.s32 @!p0 s1, s3  }
0x107: {  	[tilespmem:s6], [sflag:$0x1] =	stream.linear.gather @!p0 [hbm4b:s3+s4], $0x4000, $0x38;
	[tilespmem:$0x18800] =	vst v63  }
0x108: {  	_ =	swait.ge [sflag:s15], $0x4000  }
0x109: {  	[sflag:s15] =	ssyncset.done $0x0  }
0x10a: {  	s3 =	simm.s32 $0x0;
	[sflag:s15] =	ssyncadd.s32 $0xFFFFC000  }
0x10b: {  	s6 =	sand.u32 $0x40, s3;
	_ =	swait.ge [sflag:s25], $0x4000  }
0x10c: {  	s19 =	sand.u32 $0x780, s3;
	s13 =	sor.u32 $0x10, s6;
	[sflag:s25] =	ssyncset.done $0x0  }
0x10d: {  	s20 =	sor.u32 s13, s19;
	[sflag:s25] =	ssyncadd.s32 $0xFFFFC000  }
0x10e: {  	v0 =	vld [tilespmem:s20+$0x0];
	_ =	sdelay $0x1  }
0x10f: {  	s15 =	sor.u32 $0x30, s6  }
0x110: {  	s22 =	sor.u32 s15, s19  }
0x111: {  	v1 =	vld [tilespmem:s22+$0x0]  }
0x112: {  	v2 =	vshll.u32 v0, $0x3  }
0x113: {  	v0 =	vand.u32 $0x7F, v0;
	v2 =	vand.u32 $0xFFFFFC00, v2  }
0x114: {  	v17 =	vor.u32 v0, v2  }
0x115: {  	s7 =	sor.u32 $0x20, s6;
	v2 =	vor.u32 $0x200, v17  }
0x116: {  	s4 =	sor.u32 s7, s19;
	v0 =	vshll.u32 v1, $0x3;
	v3 =	vor.u32 $0x300, v17  }
0x117: {  	v12 =	vld [tilespmem:s4+$0x0];
	v1 =	vand.u32 $0x7F, v1;
	v0 =	vand.u32 $0xFFFFFC00, v0;
	v6 =	vor.u32 $0x280, v17  }
0x118: {  	v7 =	vor.u32 $0x100, v17;
	v19 =	vor.u32 v1, v0;
	v1 =	vld [tilespmem:s3+$0x0]  }
0x119: {  	v22 =	vor.u32 $0x80, v17;
	v10 =	vld.idx.msk [tilespmem:v17+s18+$0x0], $0xffff  }
0x11a: {  	v0 =	vor.u32 $0x80, v19;
	v4 =	vld.idx.msk [tilespmem:v2+s18+$0x0], $0xffff  }
0x11b: {  	v5 =	vld.idx.msk [tilespmem:v3+s18+$0x0], $0xffff  }
0x11c: {  	v18 =	vor.u32 $0x100, v19;
	v8 =	vld.idx.msk [tilespmem:v6+s18+$0x0], $0xffff  }
0x11d: {  	v2 =	vor.u32 $0x380, v19;
	v16 =	vld.idx.msk [tilespmem:v7+s18+$0x0], $0xffff  }
0x11e: {  	v9 =	vor.u32 $0x300, v19;
	v25 =	vld.idx.msk [tilespmem:v22+s18+$0x0], $0xffff  }
0x11f: {  	v3 =	vor.u32 $0x280, v19;
	v14 =	vld.idx.msk [tilespmem:v0+s18+$0x0], $0xffff;
	v0 =	vshll.u32 v1, $0x3  }
0x120: {  	v6 =	vor.u32 $0x200, v19;
	v15 =	vld.idx.msk [tilespmem:v19+s18+$0x0], $0xffff;
	v1 =	vand.u32 $0x7F, v1;
	v11 =	vand.u32 $0xFFFFFC00, v0  }
0x121: {  	v13 =	vor.u32 $0x380, v17;
	v24 =	vld.idx.msk [tilespmem:v18+s18+$0x0], $0xffff;
	v23 =	vor.u32 v1, v11  }
0x122: {  	v0 =	vld.idx.msk [tilespmem:v2+s18+$0x0], $0xffff;
	v1 =	vor.u32 $0x380, v23  }
0x123: {  	v2 =	vld.idx.msk [tilespmem:v9+s18+$0x0], $0xffff;
	v9 =	vor.u32 $0x100, v23  }
0x124: {  	v3 =	vld.idx.msk [tilespmem:v3+s18+$0x0], $0xffff;
	v20 =	vor.u32 $0x280, v23  }
0x125: {  	v7 =	vor.u32 $0x200, v23;
	v11 =	vld.idx.msk [tilespmem:v6+s18+$0x0], $0xffff  }
0x126: {  	v6 =	vld.idx.msk [tilespmem:v13+s18+$0x0], $0xffff;
	v21 =	vor.u32 $0x300, v23  }
0x127: {  	v18 =	vor.u32 $0x180, v23;
	v1 =	vld.idx.msk [tilespmem:v1+s18+$0x0], $0xffff  }
0x128: {  	v26 =	vor.u32 $0x80, v23;
	v27 =	vld.idx.msk [tilespmem:v9+s18+$0x0], $0xffff  }
0x129: {  	v9 =	vld.idx.msk [tilespmem:v20+s18+$0x0], $0xffff;
	v20 =	vshll.u32 v12, $0x3  }
0x12a: {  	p2 =	por $0x0, $0x0;
	v22 =	vor.u32 $0x180, v17;
	v13 =	vld.idx.msk [tilespmem:v7+s18+$0x0], $0xffff;
	v12 =	vand.u32 $0x7F, v12;
	v20 =	vand.u32 $0xFFFFFC00, v20  }
0x12b: {  	s29 =	simm.s32 $0x0;
	p1 =	por p2, p2;
	v7 =	vld.idx.msk [tilespmem:v21+s18+$0x0], $0xffff;
	v12 =	vor.u32 v12, v20;
	v20 =	vor.u32 $0x180, v19  }
0x12c: {  	p2 =	por !p2, !p2;
	s9 =	simm.s32 $0x200;
	s23 =	sand.u32 $0x3C00, s3;
	v18 =	vld.idx.msk [tilespmem:v18+s18+$0x0], $0xffff  }
0x12d: {  	s10 =	simm.s32 $0x40;
	s8 =	simm.s32 $0x40;
	s11 =	sadd.s32 $0x10800, s23;
	v26 =	vld.idx.msk [tilespmem:v26+s18+$0x0], $0xffff  }
.LBB2_7:
0x12e: {  	s29 =	sadd.s32 $0x4, s29;
	v19 =	vld.idx.msk [tilespmem:v23+s18+$0x0], $0xffff;
	s20 =	sor.u32 s6, s11;
	s6 =	sand.u32 $0x40, s10  }
0x12f: {  	s12 =	sand.u32 $0x780, s10;
	v17 =	vor.u32 $0x380, v12;
	s4 =	sor.u32 $0x10, s6;
	s19 =	sor.u32 $0x30, s6;
	[tilespmem:s20+$0x100] =	vst v27;
	v22 =	vld.idx.msk [tilespmem:v22+s18+$0x0], $0xffff  }
0x130: {  	v21 =	vor.u32 $0x300, v12;
	s23 =	sor.u32 s15, s11;
	s14 =	sor.u32 $0x20, s6;
	s22 =	sor.u32 s4, s12;
	v20 =	vld.idx.msk [tilespmem:v20+s18+$0x0], $0xffff  }
0x131: {  	p3 =	slt.u32 s29, $0x7C;
	v27 =	vor.u32 $0x280, v12;
	s15 =	sor.u32 s14, s12;
	s12 =	sor.u32 s19, s12;
	v23 =	vld [tilespmem:s22+$0x0]  }
0x132: {  	v29 =	vor.u32 $0x200, v12;
	v28 =	vld [tilespmem:s15+$0x0];
	[tilespmem:s23+$0x0] =	vst v15;
	s15 =	smov.u32 s19  }
0x133: {  	v15 =	vld [tilespmem:s12+$0x0];
	[tilespmem:s23+$0x80] =	vst v14  }
0x134: {  	v14 =	vor.u32 $0x100, v12;
	v17 =	vld.idx.msk [tilespmem:v17+s18+$0x0], $0xffff;
	[tilespmem:s23+$0x100] =	vst v24  }
0x135: {  	s12 =	sor.u32 s13, s11;
	s13 =	smov.u32 s4;
	v24 =	vor.u32 $0x80, v12;
	[tilespmem:s20+$0x0] =	vst v19;
	v19 =	vld.idx.msk [tilespmem:v21+s18+$0x0], $0xffff  }
0x136: {  	v30 =	vshll.u32 v23, $0x3;
	[tilespmem:s12+$0x100] =	vst v16;
	v16 =	vor.u32 $0x180, v12;
	v21 =	vld.idx.msk [tilespmem:v27+s18+$0x0], $0xffff  }
0x137: {  	v23 =	vand.u32 $0x7F, v23;
	v27 =	vand.u32 $0xFFFFFC00, v30;
	v30 =	vshll.u32 v28, $0x3;
	[tilespmem:s12+$0x0] =	vst v10;
	v29 =	vld.idx.msk [tilespmem:v29+s18+$0x0], $0xffff  }
0x138: {  	s4 =	simm.s32 $0x1;
	v23 =	vor.u32 v23, v27;
	v10 =	vand.u32 $0x7F, v15;
	v15 =	vshll.u32 v15, $0x3;
	[tilespmem:s20+$0x80] =	vst v26;
	v26 =	vld.idx.msk [tilespmem:v12+s18+$0x0], $0xffff  }
0x139: {  	s4 =	simm.s32 @!p1 $0x0;
	p1 =	por p2, p2;
	v12 =	vand.u32 $0xFFFFFC00, v30;
	v27 =	vor.u32 $0x200, v23;
	v15 =	vand.u32 $0xFFFFFC00, v15;
	[tilespmem:s12+$0x80] =	vst v25;
	v25 =	vld.idx.msk [tilespmem:v14+s18+$0x0], $0xffff  }
0x13a: {  	s4 =	sshll.u32 s4, $0x6;
	v30 =	vor.u32 $0x80, v23;
	v14 =	vand.u32 $0x7F, v28;
	v28 =	vor.u32 v10, v15;
	[tilespmem:s12+$0x180] =	vst v22;
	v24 =	vld.idx.msk [tilespmem:v24+s18+$0x0], $0xffff  }
0x13b: {  	v32 =	vor.u32 $0x280, v23;
	v33 =	vor.u32 $0x380, v23;
	s12 =	sadd.s32 s4, s3;
	s3 =	smov.u32 s9;
	v31 =	vld [tilespmem:s8+$0x0];
	v34 =	vor.u32 $0x80, v28;
	[tilespmem:s23+$0x180] =	vst v20  }
0x13c: {  	v35 =	vor.u32 $0x300, v23;
	v12 =	vor.u32 v14, v12;
	v36 =	vor.u32 $0x100, v28;
	s4 =	sor.u32 $0x200, s12;
	s19 =	sadd.s32 $0x10, s12;
	s23 =	sadd.s32 $0x30, s12;
	[tilespmem:s20+$0x180] =	vst v18;
	v18 =	vld.idx.msk [tilespmem:v16+s18+$0x0], $0xffff  }
0x13d: {  	v20 =	vor.u32 $0x180, v28;
	s20 =	sadd.s32 $0x20, s12;
	v10 =	vld.idx.msk [tilespmem:v23+s18+$0x0], $0xffff;
	[tilespmem:s4+$0x10800] =	vst v13;
	s4 =	sor.u32 $0x200, s23  }
0x13e: {  	s11 =	sor.u32 s7, s11;
	s7 =	smov.u32 s14;
	v16 =	vor.u32 $0x380, v28;
	v13 =	vor.u32 $0x100, v23;
	v27 =	vld.idx.msk [tilespmem:v27+s18+$0x0], $0xffff;
	[tilespmem:s4+$0x10800] =	vst v11  }
0x13f: {  	v22 =	vor.u32 $0x180, v23;
	v15 =	vld.idx.msk [tilespmem:v28+s18+$0x0], $0xffff;
	[tilespmem:s11+$0x0] =	vst v26  }
0x140: {  	v26 =	vor.u32 $0x300, v28;
	v11 =	vshll.u32 v31, $0x3;
	v14 =	vld.idx.msk [tilespmem:v34+s18+$0x0], $0xffff;
	[tilespmem:s11+$0x80] =	vst v24  }
0x141: {  	s4 =	sor.u32 $0x200, s19;
	v23 =	vand.u32 $0x7F, v31;
	v31 =	vor.u32 $0x280, v28;
	v11 =	vand.u32 $0xFFFFFC00, v11;
	v24 =	vld.idx.msk [tilespmem:v35+s18+$0x0], $0xffff;
	[tilespmem:s11+$0x100] =	vst v25  }
0x142: {  	v23 =	vor.u32 v23, v11;
	v25 =	vld.idx.msk [tilespmem:v32+s18+$0x0], $0xffff;
	v11 =	vor.u32 $0x200, v28;
	[tilespmem:s4+$0x10800] =	vst v4;
	s4 =	sor.u32 $0x280, s19  }
0x143: {  	v28 =	vor.u32 $0x80, v23;
	v32 =	vor.u32 $0x180, v23;
	v34 =	vor.u32 $0x380, v23;
	v35 =	vld.idx.msk [tilespmem:v16+s18+$0x0], $0xffff;
	[tilespmem:s4+$0x10800] =	vst v8;
	s4 =	sor.u32 $0x300, s19  }
0x144: {  	v37 =	vor.u32 $0x100, v23;
	v38 =	vor.u32 $0x200, v23;
	v4 =	vmov v27;
	v16 =	vld.idx.msk [tilespmem:v13+s18+$0x0], $0xffff;
	[tilespmem:s4+$0x10800] =	vst v5;
	s4 =	sor.u32 $0x380, s19  }
0x145: {  	v26 =	vld.idx.msk [tilespmem:v26+s18+$0x0], $0xffff;
	[tilespmem:s4+$0x10800] =	vst v6;
	s4 =	sor.u32 $0x280, s23  }
0x146: {  	s14 =	sor.u32 $0x280, s12;
	[tilespmem:s4+$0x10800] =	vst v3;
	v3 =	vld.idx.msk [tilespmem:v31+s18+$0x0], $0xffff  }
0x147: {  	v5 =	vmov v24;
	v11 =	vld.idx.msk [tilespmem:v11+s18+$0x0], $0xffff;
	[tilespmem:s14+$0x10800] =	vst v9  }
0x148: {  	s4 =	sor.u32 $0x200, s20;
	v9 =	vor.u32 $0x280, v23;
	v8 =	vmov v25;
	v6 =	vld.idx.msk [tilespmem:v33+s18+$0x0], $0xffff;
	[tilespmem:s11+$0x180] =	vst v18  }
0x149: {  	v18 =	vor.u32 $0x300, v23;
	v24 =	vld.idx.msk [tilespmem:v36+s18+$0x0], $0xffff;
	[tilespmem:s4+$0x10800] =	vst v29;
	s4 =	sor.u32 $0x300, s23  }
0x14a: {  	s11 =	sor.u32 $0x300, s12;
	v29 =	vld.idx.msk [tilespmem:v34+s18+$0x0], $0xffff;
	[tilespmem:s4+$0x10800] =	vst v2  }
0x14b: {  	s4 =	sor.u32 $0x380, s23;
	v2 =	vmov v26;
	v13 =	vld.idx.msk [tilespmem:v38+s18+$0x0], $0xffff;
	[tilespmem:s11+$0x10800] =	vst v7  }
0x14c: {  	s11 =	sor.u32 $0x280, s20;
	v27 =	vld.idx.msk [tilespmem:v37+s18+$0x0], $0xffff;
	[tilespmem:s4+$0x10800] =	vst v0;
	v0 =	vmov v35  }
.Ltmp2:
0x14d: {  	s4 =	sor.u32 $0x300, s20;
	v9 =	vld.idx.msk [tilespmem:v9+s18+$0x0], $0xffff;
	[tilespmem:s11+$0x10800] =	vst v21;
	(pc) =	sbr.rel @p3 .LBB2_7-.Ltmp2, $4  }
0x14e: {  	s11 =	sor.u32 $0x380, s12;
	v7 =	vld.idx.msk [tilespmem:v18+s18+$0x0], $0xffff;
	[tilespmem:s4+$0x10800] =	vst v19;
	s4 =	sor.u32 $0x380, s20  }
0x14f: {  	v18 =	vld.idx.msk [tilespmem:v32+s18+$0x0], $0xffff;
	[tilespmem:s4+$0x10800] =	vst v17  }
0x150: {  	p2 =	por !p2, !p2;
	s8 =	sadd.s32 $0x40, s8;
	s4 =	sand.u32 $0x3C00, s9;
	v25 =	vld.idx.msk [tilespmem:v30+s18+$0x0], $0xffff;
	[tilespmem:s11+$0x10800] =	vst v1;
	v1 =	vmov v29  }
0x151: {  	s10 =	sadd.s32 $0x40, s10;
	s9 =	sadd.s32 $0x200, s9;
	s11 =	sadd.s32 $0x10800, s4;
	v26 =	vld.idx.msk [tilespmem:v28+s18+$0x0], $0xffff  }
0x152: {  	_ =	sdelay $0x2  }
0x153: {  	s4 =	sor.u32 s6, s11  }
0x154: {  	v17 =	vld.idx.msk [tilespmem:v23+s18+$0x0], $0xffff;
	s12 =	sor.u32 s15, s11;
	[tilespmem:s4+$0x100] =	vst v27  }
0x155: {  	v19 =	vld.idx.msk [tilespmem:v20+s18+$0x0], $0xffff;
	[tilespmem:s12+$0x0] =	vst v15  }
0x156: {  	[tilespmem:s12+$0x80] =	vst v14  }
0x157: {  	s8 =	sor.u32 s13, s11;
	[tilespmem:s12+$0x100] =	vst v24  }
0x158: {  	v21 =	vld.idx.msk [tilespmem:v22+s18+$0x0], $0xffff;
	[tilespmem:s8+$0x100] =	vst v16  }
0x159: {  	[tilespmem:s8+$0x0] =	vst v10  }
0x15a: {  	[tilespmem:s4+$0x180] =	vst v18  }
0x15b: {  	s9 =	simm.s32 $0x1;
	[tilespmem:s8+$0x80] =	vst v25  }
0x15c: {  	s9 =	simm.s32 @!p1 $0x0;
	[tilespmem:s4+$0x80] =	vst v26  }
0x15d: {  	s9 =	sshll.u32 s9, $0x6;
	[tilespmem:s4+$0x0] =	vst v17  }
0x15e: {  	s3 =	sadd.s32 s9, s3;
	[tilespmem:s8+$0x180] =	vst v21  }
0x15f: {  	s14 =	sor.u32 $0x200, s3;
	s15 =	sadd.s32 $0x30, s3;
	[tilespmem:s12+$0x180] =	vst v19  }
0x160: {  	v20 =	vor.u32 $0x380, v12;
	s20 =	sadd.s32 $0x10, s3;
	s19 =	sor.u32 $0x200, s15;
	[tilespmem:s14+$0x10800] =	vst v13  }
0x161: {  	s22 =	sor.u32 $0x200, s20;
	[tilespmem:s19+$0x10800] =	vst v11  }
0x162: {  	v15 =	vor.u32 $0x300, v12;
	s23 =	sor.u32 $0x280, s20;
	[tilespmem:s22+$0x10800] =	vst v4  }
0x163: {  	v16 =	vor.u32 $0x100, v12;
	s9 =	sor.u32 $0x280, s15;
	[tilespmem:s23+$0x10800] =	vst v8  }
0x164: {  	v22 =	vor.u32 $0x180, v12;
	s10 =	sor.u32 $0x280, s3;
	[tilespmem:s9+$0x10800] =	vst v3  }
0x165: {  	v17 =	vor.u32 $0x80, v12;
	v20 =	vld.idx.msk [tilespmem:v20+s18+$0x0], $0xffff;
	s29 =	sor.u32 $0x300, s20;
	[tilespmem:s10+$0x10800] =	vst v9  }
0x166: {  	v14 =	vor.u32 $0x280, v12;
	v10 =	vor.u32 $0x200, v12;
	v12 =	vld.idx.msk [tilespmem:v12+s18+$0x0], $0xffff;
	s13 =	sor.u32 $0x300, s15;
	[tilespmem:s29+$0x10800] =	vst v5  }
0x167: {  	v15 =	vld.idx.msk [tilespmem:v15+s18+$0x0], $0xffff;
	s14 =	sor.u32 $0x300, s3;
	[tilespmem:s13+$0x10800] =	vst v2  }
0x168: {  	s4 =	sor.u32 $0x380, s20;
	v16 =	vld.idx.msk [tilespmem:v16+s18+$0x0], $0xffff;
	[tilespmem:s14+$0x10800] =	vst v7  }
0x169: {  	s6 =	sor.u32 $0x380, s15;
	v13 =	vld.idx.msk [tilespmem:v22+s18+$0x0], $0xffff;
	[tilespmem:s4+$0x10800] =	vst v6  }
0x16a: {  	s7 =	sor.u32 s7, s11;
	s11 =	sadd.s32 $0x20, s3;
	s3 =	sor.u32 $0x380, s3;
	[tilespmem:s6+$0x10800] =	vst v0;
	v17 =	vld.idx.msk [tilespmem:v17+s18+$0x0], $0xffff  }
0x16b: {  	v10 =	vld.idx.msk [tilespmem:v10+s18+$0x0], $0xffff;
	[tilespmem:s3+$0x10800] =	vst v1  }
0x16c: {  	v14 =	vld.idx.msk [tilespmem:v14+s18+$0x0], $0xffff;
	[tilespmem:s7+$0x0] =	vst v12  }
0x16d: {  	[tilespmem:s7+$0x100] =	vst v16  }
0x16e: {  	[tilespmem:s7+$0x180] =	vst v13  }
0x16f: {  	s12 =	sor.u32 $0x200, s11;
	[tilespmem:s7+$0x80] =	vst v17  }
0x170: {  	s15 =	sor.u32 $0x280, s11;
	[tilespmem:s12+$0x10800] =	vst v10  }
0x171: {  	s19 =	sor.u32 $0x300, s11;
	[tilespmem:s15+$0x10800] =	vst v14  }
0x172: {  	s4 =	sor.u32 $0x380, s11;
	[tilespmem:s19+$0x10800] =	vst v15  }
0x173: {  	s2 =	sadd.s32 s24, s2;
	s20 =	simm.s32 $0x10800;
	[tilespmem:s4+$0x10800] =	vst v20  }
0x174: {  	[hbm4b:s2+s5] =	stream.linear.scatter [tilespmem:s20], [sflag:$0x5], $0x4000, $0x38;
	[tilespmem:$0x18800] =	vst v63  }
0x175: {  	s2 =	rddreg [dreg:$0x9]  }
0x176: {  	s2 =	sadd.s32 @!p0 s2, s31  }
0x177: {  	s2 =	sshll.u32 @!p0 s2, $0xB  }
0x178: {  	s2 =	sand.u32 @!p0 $0x1FFFE800, s2  }
0x179: {  	s3 =	simm.s32 @!p0 $0x0;
	s4 =	simm.s32 @!p0 $0x4800;
	s2 =	sadd.s32 @!p0 s1, s2  }
0x17a: {  	[tilespmem:s4], [sflag:$0x2] =	stream.linear.gather @!p0 [hbm4b:s2+s3], $0x4000, $0x38;
	[tilespmem:$0x18800] =	vst v63  }
0x17b: {  	_ =	swait.ge [sflag:s26], $0x4000  }
0x17c: {  	[sflag:s26] =	ssyncset.done $0x0  }
0x17d: {  	s2 =	simm.s32 $0x0;
	[sflag:s26] =	ssyncadd.s32 $0xFFFFC000  }
0x17e: {  	s6 =	sand.u32 $0x40, s2;
	_ =	swait.ge [sflag:s28], $0x4000  }
0x17f: {  	s22 =	sand.u32 $0x780, s2;
	s7 =	sor.u32 $0x10, s6;
	[sflag:s28] =	ssyncset.done $0x0  }
0x180: {  	s23 =	sor.u32 s7, s22;
	[sflag:s28] =	ssyncadd.s32 $0xFFFFC000  }
0x181: {  	v0 =	vld [tilespmem:s23+$0x0];
	_ =	sdelay $0x1  }
0x182: {  	s13 =	sor.u32 $0x30, s6  }
0x183: {  	s29 =	sor.u32 s13, s22  }
0x184: {  	v1 =	vld [tilespmem:s29+$0x0]  }
0x185: {  	v2 =	vshll.u32 v0, $0x3  }
0x186: {  	v0 =	vand.u32 $0x7F, v0;
	v2 =	vand.u32 $0xFFFFFC00, v2  }
0x187: {  	v17 =	vor.u32 v0, v2  }
0x188: {  	s3 =	sor.u32 $0x20, s6;
	v2 =	vor.u32 $0x200, v17  }
0x189: {  	s4 =	sor.u32 s3, s22;
	v0 =	vshll.u32 v1, $0x3;
	v3 =	vor.u32 $0x300, v17  }
0x18a: {  	v12 =	vld [tilespmem:s4+$0x0];
	v1 =	vand.u32 $0x7F, v1;
	v0 =	vand.u32 $0xFFFFFC00, v0;
	v6 =	vor.u32 $0x280, v17  }
0x18b: {  	v7 =	vor.u32 $0x100, v17;
	v19 =	vor.u32 v1, v0;
	v1 =	vld [tilespmem:s2+$0x0]  }
0x18c: {  	v22 =	vor.u32 $0x80, v17;
	v10 =	vld.idx.msk [tilespmem:v17+s21+$0x0], $0xffff  }
0x18d: {  	v0 =	vor.u32 $0x80, v19;
	v4 =	vld.idx.msk [tilespmem:v2+s21+$0x0], $0xffff  }
0x18e: {  	v5 =	vld.idx.msk [tilespmem:v3+s21+$0x0], $0xffff  }
0x18f: {  	v18 =	vor.u32 $0x100, v19;
	v8 =	vld.idx.msk [tilespmem:v6+s21+$0x0], $0xffff  }
0x190: {  	v2 =	vor.u32 $0x380, v19;
	v16 =	vld.idx.msk [tilespmem:v7+s21+$0x0], $0xffff  }
0x191: {  	v9 =	vor.u32 $0x300, v19;
	v25 =	vld.idx.msk [tilespmem:v22+s21+$0x0], $0xffff  }
0x192: {  	v3 =	vor.u32 $0x280, v19;
	v14 =	vld.idx.msk [tilespmem:v0+s21+$0x0], $0xffff;
	v0 =	vshll.u32 v1, $0x3  }
0x193: {  	v6 =	vor.u32 $0x200, v19;
	v15 =	vld.idx.msk [tilespmem:v19+s21+$0x0], $0xffff;
	v1 =	vand.u32 $0x7F, v1;
	v11 =	vand.u32 $0xFFFFFC00, v0  }
0x194: {  	v13 =	vor.u32 $0x380, v17;
	v24 =	vld.idx.msk [tilespmem:v18+s21+$0x0], $0xffff;
	v23 =	vor.u32 v1, v11  }
0x195: {  	v0 =	vld.idx.msk [tilespmem:v2+s21+$0x0], $0xffff;
	v1 =	vor.u32 $0x380, v23  }
0x196: {  	v2 =	vld.idx.msk [tilespmem:v9+s21+$0x0], $0xffff;
	v9 =	vor.u32 $0x100, v23  }
0x197: {  	v3 =	vld.idx.msk [tilespmem:v3+s21+$0x0], $0xffff;
	v20 =	vor.u32 $0x280, v23  }
0x198: {  	v7 =	vor.u32 $0x200, v23;
	v11 =	vld.idx.msk [tilespmem:v6+s21+$0x0], $0xffff  }
0x199: {  	v6 =	vld.idx.msk [tilespmem:v13+s21+$0x0], $0xffff;
	v21 =	vor.u32 $0x300, v23  }
0x19a: {  	v18 =	vor.u32 $0x180, v23;
	v1 =	vld.idx.msk [tilespmem:v1+s21+$0x0], $0xffff  }
0x19b: {  	v26 =	vor.u32 $0x80, v23;
	v27 =	vld.idx.msk [tilespmem:v9+s21+$0x0], $0xffff  }
0x19c: {  	v9 =	vld.idx.msk [tilespmem:v20+s21+$0x0], $0xffff;
	v20 =	vshll.u32 v12, $0x3  }
0x19d: {  	p6 =	por $0x0, $0x0;
	v22 =	vor.u32 $0x180, v17;
	v13 =	vld.idx.msk [tilespmem:v7+s21+$0x0], $0xffff;
	v12 =	vand.u32 $0x7F, v12;
	v20 =	vand.u32 $0xFFFFFC00, v20  }
0x19e: {  	p1 =	por !p6, !p6;
	s8 =	simm.s32 $0x40;
	v7 =	vld.idx.msk [tilespmem:v21+s21+$0x0], $0xffff;
	v12 =	vor.u32 v12, v20;
	v20 =	vor.u32 $0x180, v19  }
0x19f: {  	s9 =	simm.s32 $0x200;
	s10 =	simm.s32 $0x40;
	s31 =	sand.u32 $0x3C00, s2;
	v18 =	vld.idx.msk [tilespmem:v18+s21+$0x0], $0xffff  }
0x1a0: {  	s15 =	simm.s32 $0x0;
	p0 =	por p6, p6;
	s11 =	sadd.s32 $0x14800, s31;
	v26 =	vld.idx.msk [tilespmem:v26+s21+$0x0], $0xffff  }
.LBB2_9:
0x1a1: {  	s15 =	sadd.s32 $0x4, s15;
	v19 =	vld.idx.msk [tilespmem:v23+s21+$0x0], $0xffff;
	s20 =	sor.u32 s6, s11;
	s6 =	sand.u32 $0x40, s10  }
0x1a2: {  	s12 =	sand.u32 $0x780, s10;
	v17 =	vor.u32 $0x380, v12;
	s4 =	sor.u32 $0x10, s6;
	s19 =	sor.u32 $0x30, s6;
	[tilespmem:s20+$0x100] =	vst v27;
	v22 =	vld.idx.msk [tilespmem:v22+s21+$0x0], $0xffff  }
0x1a3: {  	v21 =	vor.u32 $0x300, v12;
	s23 =	sor.u32 s13, s11;
	s14 =	sor.u32 $0x20, s6;
	s22 =	sor.u32 s4, s12;
	v20 =	vld.idx.msk [tilespmem:v20+s21+$0x0], $0xffff  }
0x1a4: {  	p2 =	slt.u32 s15, $0x7C;
	v27 =	vor.u32 $0x280, v12;
	s13 =	sor.u32 s14, s12;
	s12 =	sor.u32 s19, s12;
	v23 =	vld [tilespmem:s22+$0x0]  }
0x1a5: {  	v29 =	vor.u32 $0x200, v12;
	v28 =	vld [tilespmem:s13+$0x0];
	[tilespmem:s23+$0x0] =	vst v15;
	s13 =	smov.u32 s19  }
0x1a6: {  	v15 =	vld [tilespmem:s12+$0x0];
	[tilespmem:s23+$0x80] =	vst v14  }
0x1a7: {  	v14 =	vor.u32 $0x100, v12;
	v17 =	vld.idx.msk [tilespmem:v17+s21+$0x0], $0xffff;
	[tilespmem:s23+$0x100] =	vst v24  }
0x1a8: {  	s12 =	sor.u32 s7, s11;
	s7 =	smov.u32 s4;
	v24 =	vor.u32 $0x80, v12;
	[tilespmem:s20+$0x0] =	vst v19;
	v19 =	vld.idx.msk [tilespmem:v21+s21+$0x0], $0xffff  }
0x1a9: {  	v30 =	vshll.u32 v23, $0x3;
	[tilespmem:s12+$0x100] =	vst v16;
	v16 =	vor.u32 $0x180, v12;
	v21 =	vld.idx.msk [tilespmem:v27+s21+$0x0], $0xffff  }
0x1aa: {  	v23 =	vand.u32 $0x7F, v23;
	v27 =	vand.u32 $0xFFFFFC00, v30;
	v30 =	vshll.u32 v28, $0x3;
	[tilespmem:s12+$0x0] =	vst v10;
	v29 =	vld.idx.msk [tilespmem:v29+s21+$0x0], $0xffff  }
0x1ab: {  	s4 =	simm.s32 $0x1;
	v23 =	vor.u32 v23, v27;
	v10 =	vand.u32 $0x7F, v15;
	v15 =	vshll.u32 v15, $0x3;
	[tilespmem:s20+$0x80] =	vst v26;
	v26 =	vld.idx.msk [tilespmem:v12+s21+$0x0], $0xffff  }
0x1ac: {  	s4 =	simm.s32 @!p0 $0x0;
	p0 =	por p1, p1;
	v12 =	vand.u32 $0xFFFFFC00, v30;
	v27 =	vor.u32 $0x200, v23;
	v15 =	vand.u32 $0xFFFFFC00, v15;
	[tilespmem:s12+$0x80] =	vst v25;
	v25 =	vld.idx.msk [tilespmem:v14+s21+$0x0], $0xffff  }
0x1ad: {  	s4 =	sshll.u32 s4, $0x6;
	v30 =	vor.u32 $0x80, v23;
	v14 =	vand.u32 $0x7F, v28;
	v28 =	vor.u32 v10, v15;
	[tilespmem:s12+$0x180] =	vst v22;
	v24 =	vld.idx.msk [tilespmem:v24+s21+$0x0], $0xffff  }
0x1ae: {  	v32 =	vor.u32 $0x280, v23;
	v33 =	vor.u32 $0x380, v23;
	s12 =	sadd.s32 s4, s2;
	s2 =	smov.u32 s9;
	v31 =	vld [tilespmem:s8+$0x0];
	v34 =	vor.u32 $0x80, v28;
	[tilespmem:s23+$0x180] =	vst v20  }
0x1af: {  	v35 =	vor.u32 $0x300, v23;
	v12 =	vor.u32 v14, v12;
	v36 =	vor.u32 $0x100, v28;
	s4 =	sor.u32 $0x200, s12;
	s19 =	sadd.s32 $0x10, s12;
	s23 =	sadd.s32 $0x30, s12;
	[tilespmem:s20+$0x180] =	vst v18;
	v18 =	vld.idx.msk [tilespmem:v16+s21+$0x0], $0xffff  }
0x1b0: {  	v20 =	vor.u32 $0x180, v28;
	s20 =	sadd.s32 $0x20, s12;
	v10 =	vld.idx.msk [tilespmem:v23+s21+$0x0], $0xffff;
	[tilespmem:s4+$0x14800] =	vst v13;
	s4 =	sor.u32 $0x200, s23  }
0x1b1: {  	s11 =	sor.u32 s3, s11;
	s3 =	smov.u32 s14;
	v16 =	vor.u32 $0x380, v28;
	v13 =	vor.u32 $0x100, v23;
	v27 =	vld.idx.msk [tilespmem:v27+s21+$0x0], $0xffff;
	[tilespmem:s4+$0x14800] =	vst v11  }
0x1b2: {  	v22 =	vor.u32 $0x180, v23;
	v15 =	vld.idx.msk [tilespmem:v28+s21+$0x0], $0xffff;
	[tilespmem:s11+$0x0] =	vst v26  }
0x1b3: {  	v26 =	vor.u32 $0x300, v28;
	v11 =	vshll.u32 v31, $0x3;
	v14 =	vld.idx.msk [tilespmem:v34+s21+$0x0], $0xffff;
	[tilespmem:s11+$0x80] =	vst v24  }
0x1b4: {  	s4 =	sor.u32 $0x200, s19;
	v23 =	vand.u32 $0x7F, v31;
	v31 =	vor.u32 $0x280, v28;
	v11 =	vand.u32 $0xFFFFFC00, v11;
	v24 =	vld.idx.msk [tilespmem:v35+s21+$0x0], $0xffff;
	[tilespmem:s11+$0x100] =	vst v25  }
0x1b5: {  	v23 =	vor.u32 v23, v11;
	v25 =	vld.idx.msk [tilespmem:v32+s21+$0x0], $0xffff;
	v11 =	vor.u32 $0x200, v28;
	[tilespmem:s4+$0x14800] =	vst v4;
	s4 =	sor.u32 $0x280, s19  }
0x1b6: {  	v28 =	vor.u32 $0x80, v23;
	v32 =	vor.u32 $0x180, v23;
	v34 =	vor.u32 $0x380, v23;
	v35 =	vld.idx.msk [tilespmem:v16+s21+$0x0], $0xffff;
	[tilespmem:s4+$0x14800] =	vst v8;
	s4 =	sor.u32 $0x300, s19  }
0x1b7: {  	v37 =	vor.u32 $0x100, v23;
	v38 =	vor.u32 $0x200, v23;
	v4 =	vmov v27;
	v16 =	vld.idx.msk [tilespmem:v13+s21+$0x0], $0xffff;
	[tilespmem:s4+$0x14800] =	vst v5;
	s4 =	sor.u32 $0x380, s19  }
0x1b8: {  	v26 =	vld.idx.msk [tilespmem:v26+s21+$0x0], $0xffff;
	[tilespmem:s4+$0x14800] =	vst v6;
	s4 =	sor.u32 $0x280, s23  }
0x1b9: {  	s14 =	sor.u32 $0x280, s12;
	[tilespmem:s4+$0x14800] =	vst v3;
	v3 =	vld.idx.msk [tilespmem:v31+s21+$0x0], $0xffff  }
0x1ba: {  	v5 =	vmov v24;
	v11 =	vld.idx.msk [tilespmem:v11+s21+$0x0], $0xffff;
	[tilespmem:s14+$0x14800] =	vst v9  }
0x1bb: {  	s4 =	sor.u32 $0x200, s20;
	v9 =	vor.u32 $0x280, v23;
	v8 =	vmov v25;
	v6 =	vld.idx.msk [tilespmem:v33+s21+$0x0], $0xffff;
	[tilespmem:s11+$0x180] =	vst v18  }
0x1bc: {  	v18 =	vor.u32 $0x300, v23;
	v24 =	vld.idx.msk [tilespmem:v36+s21+$0x0], $0xffff;
	[tilespmem:s4+$0x14800] =	vst v29;
	s4 =	sor.u32 $0x300, s23  }
0x1bd: {  	s11 =	sor.u32 $0x300, s12;
	v29 =	vld.idx.msk [tilespmem:v34+s21+$0x0], $0xffff;
	[tilespmem:s4+$0x14800] =	vst v2  }
0x1be: {  	s4 =	sor.u32 $0x380, s23;
	v2 =	vmov v26;
	v13 =	vld.idx.msk [tilespmem:v38+s21+$0x0], $0xffff;
	[tilespmem:s11+$0x14800] =	vst v7  }
0x1bf: {  	s11 =	sor.u32 $0x280, s20;
	v27 =	vld.idx.msk [tilespmem:v37+s21+$0x0], $0xffff;
	[tilespmem:s4+$0x14800] =	vst v0;
	v0 =	vmov v35  }
.Ltmp3:
0x1c0: {  	s4 =	sor.u32 $0x300, s20;
	v9 =	vld.idx.msk [tilespmem:v9+s21+$0x0], $0xffff;
	[tilespmem:s11+$0x14800] =	vst v21;
	(pc) =	sbr.rel @p2 .LBB2_9-.Ltmp3, $4  }
0x1c1: {  	s11 =	sor.u32 $0x380, s12;
	v7 =	vld.idx.msk [tilespmem:v18+s21+$0x0], $0xffff;
	[tilespmem:s4+$0x14800] =	vst v19;
	s4 =	sor.u32 $0x380, s20  }
0x1c2: {  	v18 =	vld.idx.msk [tilespmem:v32+s21+$0x0], $0xffff;
	[tilespmem:s4+$0x14800] =	vst v17  }
0x1c3: {  	p1 =	por !p1, !p1;
	s8 =	sadd.s32 $0x40, s8;
	s4 =	sand.u32 $0x3C00, s9;
	v25 =	vld.idx.msk [tilespmem:v30+s21+$0x0], $0xffff;
	[tilespmem:s11+$0x14800] =	vst v1;
	v1 =	vmov v29  }
0x1c4: {  	s10 =	sadd.s32 $0x40, s10;
	s9 =	sadd.s32 $0x200, s9;
	s11 =	sadd.s32 $0x14800, s4;
	v26 =	vld.idx.msk [tilespmem:v28+s21+$0x0], $0xffff  }
0x1c5: {  	_ =	sdelay $0x2  }
0x1c6: {  	s4 =	sor.u32 s6, s11  }
0x1c7: {  	v17 =	vld.idx.msk [tilespmem:v23+s21+$0x0], $0xffff;
	s20 =	sor.u32 s13, s11;
	[tilespmem:s4+$0x100] =	vst v27  }
0x1c8: {  	v19 =	vld.idx.msk [tilespmem:v20+s21+$0x0], $0xffff;
	v55 =	vor.u32 $0x380, v12;
	[tilespmem:s20+$0x0] =	vst v15  }
0x1c9: {  	v56 =	vor.u32 $0x300, v12;
	[tilespmem:s20+$0x80] =	vst v14  }
0x1ca: {  	v57 =	vor.u32 $0x280, v12;
	s7 =	sor.u32 s7, s11;
	[tilespmem:s20+$0x100] =	vst v24  }
0x1cb: {  	v21 =	vld.idx.msk [tilespmem:v22+s21+$0x0], $0xffff;
	v58 =	vor.u32 $0x80, v12;
	[tilespmem:s7+$0x100] =	vst v16  }
0x1cc: {  	v59 =	vor.u32 $0x100, v12;
	v62 =	vld.idx.msk [tilespmem:v12+s21+$0x0], $0xffff;
	[tilespmem:s7+$0x0] =	vst v10  }
0x1cd: {  	v60 =	vor.u32 $0x200, v12;
	[tilespmem:s4+$0x180] =	vst v18;
	v20 =	vld.idx.msk [tilespmem:v55+s21+$0x0], $0xffff  }
0x1ce: {  	v61 =	vor.u32 $0x180, v12;
	[tilespmem:s7+$0x80] =	vst v25;
	v15 =	vld.idx.msk [tilespmem:v56+s21+$0x0], $0xffff  }
0x1cf: {  	s8 =	simm.s32 $0x1;
	[tilespmem:s4+$0x80] =	vst v26;
	v14 =	vld.idx.msk [tilespmem:v57+s21+$0x0], $0xffff  }
0x1d0: {  	s8 =	simm.s32 @!p0 $0x0;
	[tilespmem:s4+$0x0] =	vst v17;
	v17 =	vld.idx.msk [tilespmem:v58+s21+$0x0], $0xffff  }
0x1d1: {  	s8 =	sshll.u32 s8, $0x6;
	[tilespmem:s7+$0x180] =	vst v21;
	v16 =	vld.idx.msk [tilespmem:v59+s21+$0x0], $0xffff  }
0x1d2: {  	s3 =	sor.u32 s3, s11;
	s2 =	sadd.s32 s8, s2;
	[tilespmem:s20+$0x180] =	vst v19;
	v10 =	vld.idx.msk [tilespmem:v60+s21+$0x0], $0xffff  }
0x1d3: {  	s22 =	sor.u32 $0x200, s2;
	s23 =	sadd.s32 $0x30, s2;
	v63 =	vld.idx.msk [tilespmem:v61+s21+$0x0], $0xffff;
	[tilespmem:s3+$0x0] =	vst v62  }
0x1d4: {  	s31 =	sadd.s32 $0x10, s2;
	s29 =	sor.u32 $0x200, s23;
	[tilespmem:s22+$0x14800] =	vst v13  }
0x1d5: {  	s8 =	sor.u32 $0x200, s31;
	[tilespmem:s29+$0x14800] =	vst v11  }
0x1d6: {  	s9 =	sor.u32 $0x280, s31;
	[tilespmem:s8+$0x14800] =	vst v4  }
0x1d7: {  	s11 =	sor.u32 $0x280, s23;
	[tilespmem:s9+$0x14800] =	vst v8  }
0x1d8: {  	s12 =	sor.u32 $0x280, s2;
	[tilespmem:s11+$0x14800] =	vst v3  }
0x1d9: {  	s10 =	sor.u32 $0x300, s31;
	[tilespmem:s12+$0x14800] =	vst v9  }
0x1da: {  	s15 =	sor.u32 $0x300, s23;
	[tilespmem:s10+$0x14800] =	vst v5  }
0x1db: {  	s19 =	sor.u32 $0x300, s2;
	[tilespmem:s15+$0x14800] =	vst v2  }
0x1dc: {  	s4 =	sor.u32 $0x380, s31;
	[tilespmem:s19+$0x14800] =	vst v7  }
0x1dd: {  	s20 =	sor.u32 $0x380, s23;
	[tilespmem:s4+$0x14800] =	vst v6  }
0x1de: {  	s13 =	sadd.s32 $0x20, s2;
	s2 =	sor.u32 $0x380, s2;
	[tilespmem:s20+$0x14800] =	vst v0  }
0x1df: {  	[tilespmem:s2+$0x14800] =	vst v1  }
0x1e0: {  	[tilespmem:s3+$0x80] =	vst v17  }
0x1e1: {  	s30 =	sadd.s32 $0x1, s30;
	[tilespmem:s3+$0x100] =	vst v16  }
0x1e2: {  	p0 =	sne.s32 s30, $0xB;
	s14 =	sor.u32 $0x200, s13;
	[tilespmem:s3+$0x180] =	vst v63  }
.Ltmp4:
0x1e3: {  	s22 =	sor.u32 $0x280, s13;
	[tilespmem:s14+$0x14800] =	vst v10;
	(pc) =	sbr.rel @p0 .LBB2_2-.Ltmp4, $4  }
0x1e4: {  	s23 =	sor.u32 $0x300, s13;
	[tilespmem:s22+$0x14800] =	vst v14  }
0x1e5: {  	s29 =	sor.u32 $0x380, s13;
	[tilespmem:s23+$0x14800] =	vst v15  }
0x1e6: {  	s0 =	sadd.s32 s24, s0;
	s31 =	simm.s32 $0x14800;
	[tilespmem:s29+$0x14800] =	vst v20  }
0x1e7: {  	[hbm4b:s0+s5] =	stream.linear.scatter [tilespmem:s31], [sflag:$0x6], $0x4000, $0x38;
	[tilespmem:$0x18800] =	vst v63  }
0x1e8: {  	_ =	swait.ge [sflag:s25], $0x4000  }
0x1e9: {  	[sflag:s25] =	ssyncset.done $0x0  }
0x1ea: {  	[sflag:s25] =	ssyncadd.s32 $0xFFFFC000  }
0x1eb: {  	_ =	swait.ge [sflag:s28], $0x4000  }
0x1ec: {  	s2 =	rddreg [dreg:$0xd]  }
0x1ed: {  	s0 =	rddreg [dreg:$0xb];
	s2 =	sadd.s32 $0x1, s2  }
0x1ee: {  	p0 =	sne.s32 s2, s0  }
.Ltmp5:
0x1ef: {  	_ = 	snop;
	(pc) =	sbr.rel @p0 .LBB2_1-.Ltmp5, $3  }
0x1f0: {  	_ =	sdelay $0x1  }
0x1f1: {  	[sflag:s28] =	ssyncset.done $0x0  }
0x1f2: {  	[sflag:s28] =	ssyncadd.s32 $0xFFFFC000  }
0x1f3: {  	_ =	sfence.sel $0x180000  }
0x1f4: {  	[bflag:$0x0] =	sbarrier.arrive $0xFFFF  }
0x1f5: {  	_ =	strace $0x90000047  }
0x1f6: {  	s0 =	stileid.u32;
	[bflag:$0x2] =	sbarrier.arrive $0xFFFF  }
0x1f7: {  	p0 =	sne.s32 s0, $0x0;
	s0 =	rddreg [dreg:$0x3]  }
0x1f8: {  	s0 =	sadd.s32 @!p0 $0x100000, s0  }
0x1f9: {  	[sflag:s0] =	ssyncadd.tile.s32 @!p0 $0x1;
	_ =	shalt  }
.Lfunc_end2:
_tile_overlayer_lowered:
.L_overlay_start_2:
0x1fa: {  	(tag) =	ssettag $0x2  }
0x1fb: {  	s0 =	rddreg [dreg:$0x0];
	s2 =	stileid.u32  }
0x1fc: {  	s1 =	rddreg [dreg:$0x1];
	p0 =	sne.s32 s2, $0x0  }
0x1fd: {  	s3 =	rddreg [dreg:$0x2];
	[bflag:$0x3] =	sbarrier.arrive $0xFFFF;
	s2 =	simm.s32 @!p0 $0x1C07  }
0x1fe: {  	[timem:s3], [sflag:s2] =	dma.local @!p0 [hbm:s0], s1  }
0x1ff: {  	s0 =	simm.s32 @!p0 $0x7  }
0x200: {  	_ =	swait.ge @!p0 [sflag:s0], s1  }
0x201: {  	s1 =	ssub.s32 @!p0 $0x0, s1;
	[sflag:s0] =	ssyncset.done @!p0 $0x0  }
0x202: {  	[sflag:s0] =	ssyncadd.s32 @!p0 s1  }
0x203: {  	[bflag:$0x3] =	sbarrier.arrive $0xFFFF  }
0x204: {  	_ =	shalt  }

</sc_bundles>
